<compile_context>
chip_gen: v7x
topology: tpu7x:2x2x1
jax: 0.10.2.dev20260603
libtpu: 0.0.44.dev20260713+nightly
codegen_flags: <defaults>
</compile_context>

<pallas_src>
import functools

import jax
import jax.numpy as jnp
from jax import lax
from jax.experimental import pallas as pl
from jax.experimental.pallas import tpu as pltpu
from jax.experimental.pallas import tpu_sc as plsc

N = 10000
E = 320000
D = 128
NPAD = 10016
NW = 32
NS = 16
K = 128
CH = 79
EPW = CH * K
EPAD = NW * EPW

_MESH = dict(core_axis_name="c", subcore_axis_name="s")


@functools.partial(
    pl.kernel,
    out_type=jax.ShapeDtypeStruct((2, NPAD, D), jnp.float32),
    mesh=plsc.VectorSubcoreMesh(**_MESH),
    scratch_types=[
        pltpu.VMEM((CH, K), jnp.int32),
        pltpu.VMEM((K, D), jnp.float32),
        pltpu.VMEM_SHARED((NPAD, D), jnp.float32),
        pltpu.SemaphoreType.DMA((2,)),
    ],
)
def _sc_degree(dstw_hbm, ones_hbm, zeros_hbm, out_hbm, idx_v, ones_v, deg_sh, sems):
    cid = lax.axis_index("c")
    sid = lax.axis_index("s")
    wid = cid * NS + sid
    pltpu.sync_copy(dstw_hbm.at[wid], idx_v)
    pltpu.sync_copy(ones_hbm, ones_v)

    @pl.when(sid == 0)
    def _():
        pltpu.sync_copy(zeros_hbm, deg_sh)

    plsc.subcore_barrier()

    def body(j, carry):
        b = lax.rem(j, 2)

        @pl.when(j >= 2)
        def _():
            pltpu.make_async_copy(ones_v, deg_sh.at[idx_v.at[j]], sems.at[b]).wait()

        pltpu.async_copy(ones_v, deg_sh.at[idx_v.at[j]], sems.at[b], add=True)
        return carry

    lax.fori_loop(0, CH, body, 0)
    pltpu.make_async_copy(ones_v, deg_sh.at[idx_v.at[0]], sems.at[0]).wait()
    pltpu.make_async_copy(ones_v, deg_sh.at[idx_v.at[0]], sems.at[1]).wait()
    plsc.subcore_barrier()

    @pl.when(sid == 0)
    def _():
        pltpu.sync_copy(deg_sh, out_hbm.at[cid])


@functools.partial(
    pl.kernel,
    out_type=jax.ShapeDtypeStruct((2, NPAD, D), jnp.float32),
    mesh=plsc.VectorSubcoreMesh(**_MESH),
    scratch_types=[
        pltpu.VMEM((2, K), jnp.int32),
        pltpu.VMEM((CH, K), jnp.int32),
        pltpu.VMEM((2, K, D), jnp.float32),
        pltpu.VMEM_SHARED((NPAD, D), jnp.float32),
        pltpu.SemaphoreType.DMA((2,)),
        pltpu.SemaphoreType.DMA((2,)),
        pltpu.SemaphoreType.DMA((2,)),
    ],
)
def _sc_aggregate(g_hbm, srcw_hbm, dstw_hbm, zeros_hbm, out_hbm,
                  sidxb, didx, bufs, agg_sh, semi, semg, sems):
    cid = lax.axis_index("c")
    sid = lax.axis_index("s")
    wid = cid * NS + sid
    pltpu.sync_copy(dstw_hbm.at[wid], didx)
    pltpu.sync_copy(srcw_hbm.at[wid, 0], sidxb.at[0])

    @pl.when(sid == 0)
    def _():
        pltpu.sync_copy(zeros_hbm, agg_sh)

    plsc.subcore_barrier()

    pltpu.async_copy(srcw_hbm.at[wid, 1], sidxb.at[1], semi.at[1])
    pltpu.async_copy(g_hbm.at[sidxb.at[0]], bufs.at[0], semg.at[0])

    def body(j, carry):
        b = lax.rem(j, 2)
        nb = lax.rem(j + 1, 2)

        @pl.when(j >= 1)
        def _():
            pltpu.make_async_copy(bufs.at[nb], agg_sh.at[didx.at[j]],
                                  sems.at[nb]).wait()

        @pl.when(j + 1 < CH)
        def _():
            pltpu.make_async_copy(srcw_hbm.at[wid, j + 1], sidxb.at[nb],
                                  semi.at[nb]).wait()
            pltpu.async_copy(g_hbm.at[sidxb.at[nb]], bufs.at[nb], semg.at[nb])

        pltpu.make_async_copy(g_hbm.at[sidxb.at[b]], bufs.at[b], semg.at[b]).wait()

        @pl.when(j + 2 < CH)
        def _():
            pltpu.async_copy(srcw_hbm.at[wid, j + 2], sidxb.at[b], semi.at[b])

        pltpu.async_copy(bufs.at[b], agg_sh.at[didx.at[j]], sems.at[b], add=True)
        return carry

    lax.fori_loop(0, CH, body, 0)
    pltpu.make_async_copy(bufs.at[0], agg_sh.at[didx.at[0]],
                          sems.at[lax.rem(CH - 1, 2)]).wait()
    plsc.subcore_barrier()

    @pl.when(sid == 0)
    def _():
        pltpu.sync_copy(agg_sh, out_hbm.at[cid])


@functools.partial(
    pl.kernel,
    out_type=jax.ShapeDtypeStruct((EPAD, D), jnp.float32),
    mesh=plsc.VectorSubcoreMesh(**_MESH),
    scratch_types=[
        pltpu.VMEM((CH, K), jnp.int32),
        pltpu.VMEM((CH, K), jnp.int32),
        pltpu.VMEM((3, K, D), jnp.float32),
        pltpu.VMEM((3, K, D), jnp.float32),
        pltpu.SemaphoreType.DMA((3,)),
        pltpu.SemaphoreType.DMA((3,)),
        pltpu.SemaphoreType.DMA((3,)),
    ],
)
def _sc_edge_sum(zp_hbm, srcw_hbm, dstw_hbm, out_hbm,
                 sidx, didx, abufs, bbufs, asems, bsems, osems):
    cid = lax.axis_index("c")
    sid = lax.axis_index("s")
    wid = cid * NS + sid
    pltpu.sync_copy(srcw_hbm.at[wid], sidx)
    pltpu.sync_copy(dstw_hbm.at[wid], didx)

    pltpu.async_copy(zp_hbm.at[sidx.at[0]], abufs.at[0], asems.at[0])
    pltpu.async_copy(zp_hbm.at[didx.at[0]], bbufs.at[0], bsems.at[0])

    def out_slice(j):
        return out_hbm.at[pl.ds(wid * EPW + j * K, K)]

    def body(j, carry):
        r = lax.rem(j, 3)
        r1 = lax.rem(j + 1, 3)

        @pl.when(j >= 2)
        def _():
            pltpu.make_async_copy(abufs.at[r1], out_slice(j), osems.at[r1]).wait()

        @pl.when(j + 1 < CH)
        def _():
            pltpu.async_copy(zp_hbm.at[sidx.at[j + 1]], abufs.at[r1], asems.at[r1])
            pltpu.async_copy(zp_hbm.at[didx.at[j + 1]], bbufs.at[r1], bsems.at[r1])

        pltpu.make_async_copy(zp_hbm.at[sidx.at[j]], abufs.at[r], asems.at[r]).wait()
        pltpu.make_async_copy(zp_hbm.at[didx.at[j]], bbufs.at[r], bsems.at[r]).wait()

        ab = abufs.at[r]
        bb = bbufs.at[r]

        def row(rr, c2):
            r2 = rr * 2
            for rk in range(2):
                for c in range(D // 16):
                    sl = pl.ds(c * 16, 16)
                    plsc.addupdate(ab.at[r2 + rk, sl], bb[r2 + rk, sl])
            return c2

        lax.fori_loop(0, K // 2, row, 0)
        pltpu.async_copy(ab, out_slice(j), osems.at[r])
        return carry

    lax.fori_loop(0, CH, body, 0)
    pltpu.make_async_copy(abufs.at[0], out_slice(0), osems.at[lax.rem(CH - 1, 3)]).wait()
    pltpu.make_async_copy(abufs.at[0], out_slice(0), osems.at[lax.rem(CH - 2, 3)]).wait()


_BLK = 1024


def _tc_prologue_body(x_ref, w_ref, degp_ref, g_ref, dinv_ref):
    h = jnp.dot(x_ref[...], w_ref[...], preferred_element_type=jnp.float32)
    degsum = degp_ref[0, :, 0:1] + degp_ref[1, :, 0:1] + 1.0
    dinv = lax.rsqrt(degsum)
    g_ref[...] = h * dinv
    dinv_ref[...] = dinv


def _tc_prologue(x, W_gcn, degp):
    grid = (N + _BLK - 1) // _BLK
    return pl.pallas_call(
        _tc_prologue_body,
        grid=(grid,),
        in_specs=[
            pl.BlockSpec((_BLK, D), lambda i: (i, 0)),
            pl.BlockSpec((D, D), lambda i: (0, 0)),
            pl.BlockSpec((2, _BLK, D), lambda i: (0, i, 0)),
        ],
        out_specs=[
            pl.BlockSpec((_BLK, D), lambda i: (i, 0)),
            pl.BlockSpec((_BLK, 1), lambda i: (i, 0)),
        ],
        out_shape=[
            jax.ShapeDtypeStruct((N, D), jnp.float32),
            jax.ShapeDtypeStruct((N, 1), jnp.float32),
        ],
    )(x, W_gcn, degp)


def _tc_node_mlp_body(agg_ref, g_ref, dinv_ref, bg_ref, w1_ref, b1_ref,
                      w2_ref, b2_ref, z_ref):
    a = agg_ref[0] + agg_ref[1] + g_ref[...]
    x1 = jnp.maximum(a * dinv_ref[...] + bg_ref[...], 0.0)
    x2 = jnp.maximum(
        jnp.dot(x1, w1_ref[...], preferred_element_type=jnp.float32) + b1_ref[...], 0.0)
    x3 = jnp.maximum(
        jnp.dot(x2, w2_ref[...], preferred_element_type=jnp.float32) + b2_ref[...], 0.0)
    z_ref[...] = 0.5 * (
        jnp.dot(x3, w1_ref[...], preferred_element_type=jnp.float32) + b1_ref[...])


def _tc_node_mlp(agg, g, dinvc, b_gcn, W_fc1, b_fc1, W_fc2, b_fc2):
    grid = (NPAD + _BLK - 1) // _BLK
    return pl.pallas_call(
        _tc_node_mlp_body,
        grid=(grid,),
        in_specs=[
            pl.BlockSpec((2, _BLK, D), lambda i: (0, i, 0)),
            pl.BlockSpec((_BLK, D), lambda i: (i, 0)),
            pl.BlockSpec((_BLK, 1), lambda i: (i, 0)),
            pl.BlockSpec((1, D), lambda i: (0, 0)),
            pl.BlockSpec((D, D), lambda i: (0, 0)),
            pl.BlockSpec((1, D), lambda i: (0, 0)),
            pl.BlockSpec((D, D), lambda i: (0, 0)),
            pl.BlockSpec((1, D), lambda i: (0, 0)),
        ],
        out_specs=pl.BlockSpec((_BLK, D), lambda i: (i, 0)),
        out_shape=jax.ShapeDtypeStruct((NPAD, D), jnp.float32),
    )(agg, g, dinvc, b_gcn, W_fc1, b_fc1, W_fc2, b_fc2)


def _tc_edge_head_body(s_ref, w2_ref, b2_ref, wo_ref, bo_ref, o_ref):
    e1 = jnp.maximum(s_ref[...], 0.0)
    e2 = jnp.maximum(
        jnp.dot(e1.astype(jnp.bfloat16), w2_ref[...].astype(jnp.bfloat16),
                preferred_element_type=jnp.float32) + b2_ref[...], 0.0)
    sc = jnp.dot(e2.astype(jnp.bfloat16), wo_ref[...].astype(jnp.bfloat16),
                 preferred_element_type=jnp.float32) + bo_ref[...]
    s0 = sc[:, 0:1]
    s1 = sc[:, 1:2]
    m = jnp.maximum(s0, s1)
    lse = m + jnp.log(jnp.exp(s0 - m) + jnp.exp(s1 - m))
    o_ref[...] = sc - lse


def _tc_edge_head(s, W_fc2, b_fc2, W_out, b_out):
    blk = 8192
    grid = (EPAD + blk - 1) // blk
    return pl.pallas_call(
        _tc_edge_head_body,
        grid=(grid,),
        in_specs=[
            pl.BlockSpec((blk, D), lambda i: (i, 0)),
            pl.BlockSpec((D, D), lambda i: (0, 0)),
            pl.BlockSpec((1, D), lambda i: (0, 0)),
            pl.BlockSpec((D, 2), lambda i: (0, 0)),
            pl.BlockSpec((1, 2), lambda i: (0, 0)),
        ],
        out_specs=pl.BlockSpec((blk, 2), lambda i: (i, 0)),
        out_shape=jax.ShapeDtypeStruct((EPAD, 2), jnp.float32),
    )(s, W_fc2, b_fc2, W_out, b_out)


def kernel(x, edge_index, W_gcn, b_gcn, W_fc1, b_fc1, W_fc2, b_fc2, W_out, b_out):
    src = edge_index[0].astype(jnp.int32)
    dst = edge_index[1].astype(jnp.int32)
    pad = EPAD - E
    srcw = jnp.concatenate([src, jnp.zeros((pad,), jnp.int32)]).reshape(NW, CH, K)
    dstw = jnp.concatenate([dst, jnp.full((pad,), N, jnp.int32)]).reshape(NW, CH, K)
    onesD = jnp.ones((K, D), jnp.float32)
    zerosD = jnp.zeros((NPAD, D), jnp.float32)

    degp = _sc_degree(dstw, onesD, zerosD)
    g, dinvc = _tc_prologue(x, W_gcn, degp)
    agg = _sc_aggregate(g, srcw, dstw, zerosD)
    z = _tc_node_mlp(agg, g, dinvc, b_gcn.reshape(1, D), W_fc1,
                     b_fc1.reshape(1, D), W_fc2, b_fc2.reshape(1, D))
    s = _sc_edge_sum(z, srcw, dstw)
    out = _tc_edge_head(s, W_fc2, b_fc2.reshape(1, D), W_out, b_out.reshape(1, 2))
    return out[:E]

# --- scband reference (transcript-rebuilt; emitter-appended) ---
"""Pipeline reference for scband-gcnclassifier-32195074851336 (READ-ONLY COPY).

The authoritative reference and input builder live on the scoring server;
editing this copy changes nothing except your own understanding.
"""

import jax, jax.numpy as jnp
import numpy as np

N_NODES = 10000
N_EDGES = 320000
D_IN = 128
D_HID = 128
D_OUT = 2


def setup_inputs(seed: int = 0) -> dict:
    key = jax.random.key(seed)
    ks = jax.random.split(key, 12)
    x = jax.random.normal(ks[0], (N_NODES, D_IN), dtype=jnp.float32)
    edge_index = jax.random.randint(ks[1], (2, N_EDGES), 0, N_NODES, dtype=jnp.int64 if jax.config.jax_enable_x64 else jnp.int32).astype(jnp.int32)
    s_in = 1.0 / np.sqrt(D_IN)
    s_hid = 1.0 / np.sqrt(D_HID)
    W_gcn = jax.random.uniform(ks[2], (D_IN, D_HID), jnp.float32, -s_in, s_in)
    b_gcn = jnp.zeros((D_HID,), jnp.float32)
    W_fc1 = jax.random.uniform(ks[3], (D_HID, D_HID), jnp.float32, -s_hid, s_hid)
    b_fc1 = jax.random.uniform(ks[4], (D_HID,), jnp.float32, -s_hid, s_hid)
    W_fc2 = jax.random.uniform(ks[5], (D_HID, D_HID), jnp.float32, -s_hid, s_hid)
    b_fc2 = jax.random.uniform(ks[6], (D_HID,), jnp.float32, -s_hid, s_hid)
    W_out = jax.random.uniform(ks[7], (D_HID, D_OUT), jnp.float32, -s_hid, s_hid)
    b_out = jax.random.uniform(ks[8], (D_OUT,), jnp.float32, -s_hid, s_hid)
    return {"x": x, "edge_index": edge_index, "W_gcn": W_gcn, "b_gcn": b_gcn,
            "W_fc1": W_fc1, "b_fc1": b_fc1, "W_fc2": W_fc2, "b_fc2": b_fc2,
            "W_out": W_out, "b_out": b_out}


def reference(x, edge_index, W_gcn, b_gcn, W_fc1, b_fc1, W_fc2, b_fc2, W_out, b_out):
    N = x.shape[0]
    # GCNConv (PyG default): add self-loops, symmetric normalization
    loops = jnp.arange(N, dtype=edge_index.dtype)
    src = jnp.concatenate([edge_index[0], loops])
    dst = jnp.concatenate([edge_index[1], loops])
    h = x @ W_gcn
    deg = jnp.zeros((N,), jnp.float32).at[dst].add(1.0)
    dinv = jnp.where(deg > 0, deg ** -0.5, 0.0)
    norm = dinv[src] * dinv[dst]
    msg = h[src] * norm[:, None]
    out = jnp.zeros((N, h.shape[1]), jnp.float32).at[dst].add(msg) + b_gcn
    # relu + (dropout in eval = identity)
    xh = jax.nn.relu(out)
    xh = jax.nn.relu(xh @ W_fc1 + b_fc1)
    xh = jax.nn.relu(xh @ W_fc2 + b_fc2)
    # edge features: mean of endpoint features (gather)
    edge_x = (xh[edge_index[0]] + xh[edge_index[1]]) / 2.0
    edge_x = jax.nn.relu(edge_x @ W_fc1 + b_fc1)
    edge_x = jax.nn.relu(edge_x @ W_fc2 + b_fc2)
    scores = edge_x @ W_out + b_out
    return jax.nn.log_softmax(scores, axis=1)

if __name__ == "__main__":
    import jax
    _d = setup_inputs()
    print(jax.jit(kernel)(*tuple(_d.values())))

</pallas_src>

<mosaic_0001>
#map = affine_map<(d0, d1) -> (0, 0)>
#map1 = affine_map<(d0, d1) -> (0, 0, 0)>
module attributes {stable_mosaic.version = 14 : i64} {
  func.func @_sc_aggregate(%arg0: i32, %arg1: i32, %arg2: memref<10000x128xf32, #tpu.memory_space<hbm>>, %arg3: memref<32x79x128xi32, #tpu.memory_space<hbm>>, %arg4: memref<32x79x128xi32, #tpu.memory_space<hbm>>, %arg5: memref<10016x128xf32, #tpu.memory_space<hbm>>, %arg6: memref<2x10016x128xf32, #tpu.memory_space<hbm>>, %arg7: memref<2x128xi32, #tpu.memory_space<vmem>>, %arg8: memref<79x128xi32, #tpu.memory_space<vmem>>, %arg9: memref<2x128x128xf32, #tpu.memory_space<vmem>>, %arg10: memref<10016x128xf32, #tpu.memory_space<vmem_shared>>, %arg11: memref<2x!tpu.dma_semaphore, #tpu.memory_space<semaphore_mem>>, %arg12: memref<2x!tpu.dma_semaphore, #tpu.memory_space<semaphore_mem>>, %arg13: memref<2x!tpu.dma_semaphore, #tpu.memory_space<semaphore_mem>>) attributes {dimension_semantics = [#tpu.dimension_semantics<core_parallel>, #tpu.dimension_semantics<subcore_parallel>], iteration_bounds = array<i64: 2, 16>, scalar_prefetch = 0 : i64, scratch_operands = 7 : i64, tpu.core_type = #tpu.core_type<sc_vector_subcore>, window_params = [{transform_indices = #map}, {transform_indices = #map1}, {transform_indices = #map1}, {transform_indices = #map}, {transform_indices = #map1}]} {
    %mul3A = arith.constant 16 : i32
    %mul3A_0 = arith.muli %arg0, %mul3A : i32
    %add3A = arith.addi %mul3A_0, %arg1 : i32
    "tpu.region"() ({
      %run_scoped3A_61 = tpu.sem_alloc : memref<!tpu.dma_semaphore, #tpu.memory_space<semaphore_mem>>
      %dma_start3A_62 = arith.constant 0 : i32
      %dma_start3A_63 = arith.constant 0 : i32
      %dma_start3A_64 = tpu.memref_slice %arg4[%add3A, %dma_start3A_62, %dma_start3A_63] : memref<32x79x128xi32, #tpu.memory_space<hbm>> -> memref<1x79x128xi32, #tpu.memory_space<hbm>>
      %dma_start3A_65 = tpu.memref_squeeze %dma_start3A_64 : memref<1x79x128xi32, #tpu.memory_space<hbm>> -> memref<79x128xi32, #tpu.memory_space<hbm>>
      %dma_start3A_66 = arith.constant 0 : i32
      %dma_start3A_67 = arith.constant 0 : i32
      %dma_start3A_68 = tpu.memref_slice %arg4[%add3A, %dma_start3A_66, %dma_start3A_67] : memref<32x79x128xi32, #tpu.memory_space<hbm>> -> memref<1x79x128xi32, #tpu.memory_space<hbm>>
      %dma_start3A_69 = tpu.memref_squeeze %dma_start3A_68 : memref<1x79x128xi32, #tpu.memory_space<hbm>> -> memref<79x128xi32, #tpu.memory_space<hbm>>
      tpu.enqueue_dma source(%dma_start3A_69 : memref<79x128xi32, #tpu.memory_space<hbm>>) target(%arg8 : memref<79x128xi32, #tpu.memory_space<vmem>>) target_semaphore(%run_scoped3A_61 : memref<!tpu.dma_semaphore, #tpu.memory_space<semaphore_mem>>)
      %dma_wait3A_70 = arith.constant 0 : i32
      %dma_wait3A_71 = arith.constant 0 : i32
      %dma_wait3A_72 = tpu.memref_slice %arg4[%add3A, %dma_wait3A_70, %dma_wait3A_71] : memref<32x79x128xi32, #tpu.memory_space<hbm>> -> memref<1x79x128xi32, #tpu.memory_space<hbm>>
      %dma_wait3A_73 = tpu.memref_squeeze %dma_wait3A_72 : memref<1x79x128xi32, #tpu.memory_space<hbm>> -> memref<79x128xi32, #tpu.memory_space<hbm>>
      %dma_wait3A_74 = arith.constant 0 : i32
      %dma_wait3A_75 = arith.constant 0 : i32
      %dma_wait3A_76 = tpu.memref_slice %arg4[%add3A, %dma_wait3A_74, %dma_wait3A_75] : memref<32x79x128xi32, #tpu.memory_space<hbm>> -> memref<1x79x128xi32, #tpu.memory_space<hbm>>
      %dma_wait3A_77 = tpu.memref_squeeze %dma_wait3A_76 : memref<1x79x128xi32, #tpu.memory_space<hbm>> -> memref<79x128xi32, #tpu.memory_space<hbm>>
      tpu.wait_dma2 semaphore(%run_scoped3A_61 : memref<!tpu.dma_semaphore, #tpu.memory_space<semaphore_mem>>) src(%dma_wait3A_77 : memref<79x128xi32, #tpu.memory_space<hbm>>) dst(%arg8 : memref<79x128xi32, #tpu.memory_space<vmem>>)
      tpu.yield
    }) : () -> ()
    %run_scoped3A = arith.constant 0 : i32
    %run_scoped3A_1 = arith.constant 0 : i32
    "tpu.region"() ({
      %run_scoped3A_61 = tpu.sem_alloc : memref<!tpu.dma_semaphore, #tpu.memory_space<semaphore_mem>>
      %dma_start3A_62 = arith.constant 0 : i32
      %dma_start3A_63 = tpu.memref_slice %arg7[%run_scoped3A_1, %dma_start3A_62] : memref<2x128xi32, #tpu.memory_space<vmem>> -> memref<1x128xi32, #tpu.memory_space<vmem>>
      %dma_start3A_64 = tpu.memref_squeeze %dma_start3A_63 : memref<1x128xi32, #tpu.memory_space<vmem>> -> memref<128xi32, #tpu.memory_space<vmem>>
      %dma_start3A_65 = arith.constant 0 : i32
      %dma_start3A_66 = tpu.memref_slice %arg3[%add3A, %run_scoped3A, %dma_start3A_65] : memref<32x79x128xi32, #tpu.memory_space<hbm>> -> memref<1x1x128xi32, #tpu.memory_space<hbm>>
      %dma_start3A_67 = tpu.memref_squeeze %dma_start3A_66 : memref<1x1x128xi32, #tpu.memory_space<hbm>> -> memref<128xi32, #tpu.memory_space<hbm>>
      %dma_start3A_68 = arith.constant 0 : i32
      %dma_start3A_69 = tpu.memref_slice %arg7[%run_scoped3A_1, %dma_start3A_68] : memref<2x128xi32, #tpu.memory_space<vmem>> -> memref<1x128xi32, #tpu.memory_space<vmem>>
      %dma_start3A_70 = tpu.memref_squeeze %dma_start3A_69 : memref<1x128xi32, #tpu.memory_space<vmem>> -> memref<128xi32, #tpu.memory_space<vmem>>
      %dma_start3A_71 = arith.constant 0 : i32
      %dma_start3A_72 = tpu.memref_slice %arg3[%add3A, %run_scoped3A, %dma_start3A_71] : memref<32x79x128xi32, #tpu.memory_space<hbm>> -> memref<1x1x128xi32, #tpu.memory_space<hbm>>
      %dma_start3A_73 = tpu.memref_squeeze %dma_start3A_72 : memref<1x1x128xi32, #tpu.memory_space<hbm>> -> memref<128xi32, #tpu.memory_space<hbm>>
      tpu.enqueue_dma source(%dma_start3A_73 : memref<128xi32, #tpu.memory_space<hbm>>) target(%dma_start3A_70 : memref<128xi32, #tpu.memory_space<vmem>>) target_semaphore(%run_scoped3A_61 : memref<!tpu.dma_semaphore, #tpu.memory_space<semaphore_mem>>)
      %dma_wait3A_74 = arith.constant 0 : i32
      %dma_wait3A_75 = tpu.memref_slice %arg7[%run_scoped3A_1, %dma_wait3A_74] : memref<2x128xi32, #tpu.memory_space<vmem>> -> memref<1x128xi32, #tpu.memory_space<vmem>>
      %dma_wait3A_76 = tpu.memref_squeeze %dma_wait3A_75 : memref<1x128xi32, #tpu.memory_space<vmem>> -> memref<128xi32, #tpu.memory_space<vmem>>
      %dma_wait3A_77 = arith.constant 0 : i32
      %dma_wait3A_78 = tpu.memref_slice %arg3[%add3A, %run_scoped3A, %dma_wait3A_77] : memref<32x79x128xi32, #tpu.memory_space<hbm>> -> memref<1x1x128xi32, #tpu.memory_space<hbm>>
      %dma_wait3A_79 = tpu.memref_squeeze %dma_wait3A_78 : memref<1x1x128xi32, #tpu.memory_space<hbm>> -> memref<128xi32, #tpu.memory_space<hbm>>
      %dma_wait3A_80 = arith.constant 0 : i32
      %dma_wait3A_81 = tpu.memref_slice %arg7[%run_scoped3A_1, %dma_wait3A_80] : memref<2x128xi32, #tpu.memory_space<vmem>> -> memref<1x128xi32, #tpu.memory_space<vmem>>
      %dma_wait3A_82 = tpu.memref_squeeze %dma_wait3A_81 : memref<1x128xi32, #tpu.memory_space<vmem>> -> memref<128xi32, #tpu.memory_space<vmem>>
      %dma_wait3A_83 = arith.constant 0 : i32
      %dma_wait3A_84 = tpu.memref_slice %arg3[%add3A, %run_scoped3A, %dma_wait3A_83] : memref<32x79x128xi32, #tpu.memory_space<hbm>> -> memref<1x1x128xi32, #tpu.memory_space<hbm>>
      %dma_wait3A_85 = tpu.memref_squeeze %dma_wait3A_84 : memref<1x1x128xi32, #tpu.memory_space<hbm>> -> memref<128xi32, #tpu.memory_space<hbm>>
      tpu.wait_dma2 semaphore(%run_scoped3A_61 : memref<!tpu.dma_semaphore, #tpu.memory_space<semaphore_mem>>) src(%dma_wait3A_85 : memref<128xi32, #tpu.memory_space<hbm>>) dst(%dma_wait3A_82 : memref<128xi32, #tpu.memory_space<vmem>>)
      tpu.yield
    }) : () -> ()
    %eq3A = arith.constant 0 : i32
    %eq3A_2 = arith.cmpi eq, %arg1, %eq3A : i32
    %convert_element_type3A = arith.extui %eq3A_2 : i1 to i32
    %cond3A = arith.constant 0 : i32
    %cond3A_3 = arith.cmpi ne, %convert_element_type3A, %cond3A : i32
    scf.if %cond3A_3 {
      "tpu.region"() ({
        %run_scoped3A_61 = tpu.sem_alloc : memref<!tpu.dma_semaphore, #tpu.memory_space<semaphore_mem>>
        tpu.enqueue_dma source(%arg5 : memref<10016x128xf32, #tpu.memory_space<hbm>>) target(%arg10 : memref<10016x128xf32, #tpu.memory_space<vmem_shared>>) target_semaphore(%run_scoped3A_61 : memref<!tpu.dma_semaphore, #tpu.memory_space<semaphore_mem>>)
        tpu.wait_dma2 semaphore(%run_scoped3A_61 : memref<!tpu.dma_semaphore, #tpu.memory_space<semaphore_mem>>) src(%arg5 : memref<10016x128xf32, #tpu.memory_space<hbm>>) dst(%arg10 : memref<10016x128xf32, #tpu.memory_space<vmem_shared>>)
        tpu.yield
      }) : () -> ()
    } else {
    }
    %barrier3A = arith.constant 0 : index
    tpu.barrier barrier_id(%barrier3A)
    %dma_start3A = arith.constant 1 : i32
    %dma_start3A_4 = arith.constant 1 : i32
    %dma_start3A_5 = arith.constant 1 : i32
    %dma_start3A_6 = arith.constant 0 : i32
    %dma_start3A_7 = tpu.memref_slice %arg7[%dma_start3A_4, %dma_start3A_6] : memref<2x128xi32, #tpu.memory_space<vmem>> -> memref<1x128xi32, #tpu.memory_space<vmem>>
    %dma_start3A_8 = tpu.memref_squeeze %dma_start3A_7 : memref<1x128xi32, #tpu.memory_space<vmem>> -> memref<128xi32, #tpu.memory_space<vmem>>
    %dma_start3A_9 = arith.constant 0 : i32
    %dma_start3A_10 = tpu.memref_slice %arg3[%add3A, %dma_start3A, %dma_start3A_9] : memref<32x79x128xi32, #tpu.memory_space<hbm>> -> memref<1x1x128xi32, #tpu.memory_space<hbm>>
    %dma_start3A_11 = tpu.memref_squeeze %dma_start3A_10 : memref<1x1x128xi32, #tpu.memory_space<hbm>> -> memref<128xi32, #tpu.memory_space<hbm>>
    %dma_start3A_12 = tpu.memref_slice %arg11[%dma_start3A_5] : memref<2x!tpu.dma_semaphore, #tpu.memory_space<semaphore_mem>> -> memref<1x!tpu.dma_semaphore, #tpu.memory_space<semaphore_mem>>
    %dma_start3A_13 = tpu.memref_squeeze %dma_start3A_12 : memref<1x!tpu.dma_semaphore, #tpu.memory_space<semaphore_mem>> -> memref<!tpu.dma_semaphore, #tpu.memory_space<semaphore_mem>>
    %dma_start3A_14 = arith.constant 0 : i32
    %dma_start3A_15 = tpu.memref_slice %arg7[%dma_start3A_4, %dma_start3A_14] : memref<2x128xi32, #tpu.memory_space<vmem>> -> memref<1x128xi32, #tpu.memory_space<vmem>>
    %dma_start3A_16 = tpu.memref_squeeze %dma_start3A_15 : memref<1x128xi32, #tpu.memory_space<vmem>> -> memref<128xi32, #tpu.memory_space<vmem>>
    %dma_start3A_17 = arith.constant 0 : i32
    %dma_start3A_18 = tpu.memref_slice %arg3[%add3A, %dma_start3A, %dma_start3A_17] : memref<32x79x128xi32, #tpu.memory_space<hbm>> -> memref<1x1x128xi32, #tpu.memory_space<hbm>>
    %dma_start3A_19 = tpu.memref_squeeze %dma_start3A_18 : memref<1x1x128xi32, #tpu.memory_space<hbm>> -> memref<128xi32, #tpu.memory_space<hbm>>
    tpu.enqueue_dma source(%dma_start3A_19 : memref<128xi32, #tpu.memory_space<hbm>>) target(%dma_start3A_16 : memref<128xi32, #tpu.memory_space<vmem>>) target_semaphore(%dma_start3A_13 : memref<!tpu.dma_semaphore, #tpu.memory_space<semaphore_mem>>)
    %dma_start3A_20 = arith.constant 0 : i32
    %dma_start3A_21 = arith.constant 0 : i32
    %dma_start3A_22 = arith.constant 0 : i32
    %dma_start3A_23 = arith.constant 0 : i32
    %dma_start3A_24 = arith.constant 0 : i32
    %dma_start3A_25 = tpu.memref_slice %arg9[%dma_start3A_21, %dma_start3A_23, %dma_start3A_24] : memref<2x128x128xf32, #tpu.memory_space<vmem>> -> memref<1x128x128xf32, #tpu.memory_space<vmem>>
    %dma_start3A_26 = tpu.memref_squeeze %dma_start3A_25 : memref<1x128x128xf32, #tpu.memory_space<vmem>> -> memref<128x128xf32, #tpu.memory_space<vmem>>
    %dma_start3A_27 = arith.constant 0 : i32
    %dma_start3A_28 = tpu.memref_slice %arg7[%dma_start3A_20, %dma_start3A_27] : memref<2x128xi32, #tpu.memory_space<vmem>> -> memref<1x128xi32, #tpu.memory_space<vmem>>
    %dma_start3A_29 = tpu.memref_squeeze %dma_start3A_28 : memref<1x128xi32, #tpu.memory_space<vmem>> -> memref<128xi32, #tpu.memory_space<vmem>>
    %dma_start3A_30 = arith.constant 0 : i32
    %dma_start3A_31 = arith.constant 0 : i32
    %dma_start3A_32 = tpu.memref_slice %arg2[%dma_start3A_30, %dma_start3A_31] : memref<10000x128xf32, #tpu.memory_space<hbm>> -> memref<10000x128xf32, #tpu.memory_space<hbm>>
    %dma_start3A_33 = tpu.memref_slice %arg12[%dma_start3A_22] : memref<2x!tpu.dma_semaphore, #tpu.memory_space<semaphore_mem>> -> memref<1x!tpu.dma_semaphore, #tpu.memory_space<semaphore_mem>>
    %dma_start3A_34 = tpu.memref_squeeze %dma_start3A_33 : memref<1x!tpu.dma_semaphore, #tpu.memory_space<semaphore_mem>> -> memref<!tpu.dma_semaphore, #tpu.memory_space<semaphore_mem>>
    tpu.enqueue_indirect_dma source(%dma_start3A_32 : memref<10000x128xf32, #tpu.memory_space<hbm>>) target(%dma_start3A_26 : memref<128x128xf32, #tpu.memory_space<vmem>>) offsets(%dma_start3A_29 : memref<128xi32, #tpu.memory_space<vmem>>) semaphore(%dma_start3A_34 : memref<!tpu.dma_semaphore, #tpu.memory_space<semaphore_mem>>)
    %scan3A = arith.constant 0 : i32
    %scan3A_35 = arith.constant 0 : i32
    %scan3A_36 = arith.constant 79 : i32
    %scan3A_37 = arith.addi %scan3A_35, %scan3A_36 : i32
    %scan3A_38 = arith.constant 1 : i32
    scf.for %scan3A_61 = %scan3A_35 to %scan3A_37 step %scan3A_38  : i32 {
      %rem3A_62 = arith.constant 2 : i32
      %rem3A_63 = arith.remsi %scan3A_61, %rem3A_62 : i32
      %add3A_64 = arith.constant 1 : i32
      %add3A_65 = arith.addi %scan3A_61, %add3A_64 : i32
      %rem3A_66 = arith.constant 2 : i32
      %rem3A_67 = arith.remsi %add3A_65, %rem3A_66 : i32
      %ge3A = arith.constant 1 : i32
      %ge3A_68 = arith.cmpi sge, %scan3A_61, %ge3A : i32
      %convert_element_type3A_69 = arith.extui %ge3A_68 : i1 to i32
      %cond3A_70 = arith.constant 0 : i32
      %cond3A_71 = arith.cmpi ne, %convert_element_type3A_69, %cond3A_70 : i32
      scf.if %cond3A_71 {
        %dma_wait3A_109 = arith.constant 0 : i32
        %dma_wait3A_110 = arith.constant 0 : i32
        %dma_wait3A_111 = tpu.memref_slice %arg9[%rem3A_67, %dma_wait3A_109, %dma_wait3A_110] : memref<2x128x128xf32, #tpu.memory_space<vmem>> -> memref<1x128x128xf32, #tpu.memory_space<vmem>>
        %dma_wait3A_112 = tpu.memref_squeeze %dma_wait3A_111 : memref<1x128x128xf32, #tpu.memory_space<vmem>> -> memref<128x128xf32, #tpu.memory_space<vmem>>
        %dma_wait3A_113 = arith.constant 0 : i32
        %dma_wait3A_114 = tpu.memref_slice %arg8[%scan3A_61, %dma_wait3A_113] : memref<79x128xi32, #tpu.memory_space<vmem>> -> memref<1x128xi32, #tpu.memory_space<vmem>>
        %dma_wait3A_115 = tpu.memref_squeeze %dma_wait3A_114 : memref<1x128xi32, #tpu.memory_space<vmem>> -> memref<128xi32, #tpu.memory_space<vmem>>
        %dma_wait3A_116 = arith.constant 0 : i32
        %dma_wait3A_117 = arith.constant 0 : i32
        %dma_wait3A_118 = tpu.memref_slice %arg10[%dma_wait3A_116, %dma_wait3A_117] : memref<10016x128xf32, #tpu.memory_space<vmem_shared>> -> memref<10016x128xf32, #tpu.memory_space<vmem_shared>>
        %dma_wait3A_119 = tpu.memref_slice %arg13[%rem3A_67] : memref<2x!tpu.dma_semaphore, #tpu.memory_space<semaphore_mem>> -> memref<1x!tpu.dma_semaphore, #tpu.memory_space<semaphore_mem>>
        %dma_wait3A_120 = tpu.memref_squeeze %dma_wait3A_119 : memref<1x!tpu.dma_semaphore, #tpu.memory_space<semaphore_mem>> -> memref<!tpu.dma_semaphore, #tpu.memory_space<semaphore_mem>>
        tpu.wait_indirect_dma semaphore(%dma_wait3A_120 : memref<!tpu.dma_semaphore, #tpu.memory_space<semaphore_mem>>) src(%dma_wait3A_112 : memref<128x128xf32, #tpu.memory_space<vmem>>) dst(%dma_wait3A_118 : memref<10016x128xf32, #tpu.memory_space<vmem_shared>>)
      } else {
      }
      %add3A_72 = arith.constant 1 : i32
      %add3A_73 = arith.addi %scan3A_61, %add3A_72 : i32
      %lt3A = arith.constant 79 : i32
      %lt3A_74 = arith.cmpi slt, %add3A_73, %lt3A : i32
      %convert_element_type3A_75 = arith.extui %lt3A_74 : i1 to i32
      %cond3A_76 = arith.constant 0 : i32
      %cond3A_77 = arith.cmpi ne, %convert_element_type3A_75, %cond3A_76 : i32
      scf.if %cond3A_77 {
        %add3A_109 = arith.constant 1 : i32
        %add3A_110 = arith.addi %scan3A_61, %add3A_109 : i32
        %dma_wait3A_111 = arith.constant 0 : i32
        %dma_wait3A_112 = tpu.memref_slice %arg7[%rem3A_67, %dma_wait3A_111] : memref<2x128xi32, #tpu.memory_space<vmem>> -> memref<1x128xi32, #tpu.memory_space<vmem>>
        %dma_wait3A_113 = tpu.memref_squeeze %dma_wait3A_112 : memref<1x128xi32, #tpu.memory_space<vmem>> -> memref<128xi32, #tpu.memory_space<vmem>>
        %dma_wait3A_114 = arith.constant 0 : i32
        %dma_wait3A_115 = tpu.memref_slice %arg3[%add3A, %add3A_110, %dma_wait3A_114] : memref<32x79x128xi32, #tpu.memory_space<hbm>> -> memref<1x1x128xi32, #tpu.memory_space<hbm>>
        %dma_wait3A_116 = tpu.memref_squeeze %dma_wait3A_115 : memref<1x1x128xi32, #tpu.memory_space<hbm>> -> memref<128xi32, #tpu.memory_space<hbm>>
        %dma_wait3A_117 = tpu.memref_slice %arg11[%rem3A_67] : memref<2x!tpu.dma_semaphore, #tpu.memory_space<semaphore_mem>> -> memref<1x!tpu.dma_semaphore, #tpu.memory_space<semaphore_mem>>
        %dma_wait3A_118 = tpu.memref_squeeze %dma_wait3A_117 : memref<1x!tpu.dma_semaphore, #tpu.memory_space<semaphore_mem>> -> memref<!tpu.dma_semaphore, #tpu.memory_space<semaphore_mem>>
        %dma_wait3A_119 = arith.constant 0 : i32
        %dma_wait3A_120 = tpu.memref_slice %arg7[%rem3A_67, %dma_wait3A_119] : memref<2x128xi32, #tpu.memory_space<vmem>> -> memref<1x128xi32, #tpu.memory_space<vmem>>
        %dma_wait3A_121 = tpu.memref_squeeze %dma_wait3A_120 : memref<1x128xi32, #tpu.memory_space<vmem>> -> memref<128xi32, #tpu.memory_space<vmem>>
        %dma_wait3A_122 = arith.constant 0 : i32
        %dma_wait3A_123 = tpu.memref_slice %arg3[%add3A, %add3A_110, %dma_wait3A_122] : memref<32x79x128xi32, #tpu.memory_space<hbm>> -> memref<1x1x128xi32, #tpu.memory_space<hbm>>
        %dma_wait3A_124 = tpu.memref_squeeze %dma_wait3A_123 : memref<1x1x128xi32, #tpu.memory_space<hbm>> -> memref<128xi32, #tpu.memory_space<hbm>>
        tpu.wait_dma2 semaphore(%dma_wait3A_118 : memref<!tpu.dma_semaphore, #tpu.memory_space<semaphore_mem>>) src(%dma_wait3A_124 : memref<128xi32, #tpu.memory_space<hbm>>) dst(%dma_wait3A_121 : memref<128xi32, #tpu.memory_space<vmem>>)
        %dma_start3A_125 = arith.constant 0 : i32
        %dma_start3A_126 = arith.constant 0 : i32
        %dma_start3A_127 = tpu.memref_slice %arg9[%rem3A_67, %dma_start3A_125, %dma_start3A_126] : memref<2x128x128xf32, #tpu.memory_space<vmem>> -> memref<1x128x128xf32, #tpu.memory_space<vmem>>
        %dma_start3A_128 = tpu.memref_squeeze %dma_start3A_127 : memref<1x128x128xf32, #tpu.memory_space<vmem>> -> memref<128x128xf32, #tpu.memory_space<vmem>>
        %dma_start3A_129 = arith.constant 0 : i32
        %dma_start3A_130 = tpu.memref_slice %arg7[%rem3A_67, %dma_start3A_129] : memref<2x128xi32, #tpu.memory_space<vmem>> -> memref<1x128xi32, #tpu.memory_space<vmem>>
        %dma_start3A_131 = tpu.memref_squeeze %dma_start3A_130 : memref<1x128xi32, #tpu.memory_space<vmem>> -> memref<128xi32, #tpu.memory_space<vmem>>
        %dma_start3A_132 = arith.constant 0 : i32
        %dma_start3A_133 = arith.constant 0 : i32
        %dma_start3A_134 = tpu.memref_slice %arg2[%dma_start3A_132, %dma_start3A_133] : memref<10000x128xf32, #tpu.memory_space<hbm>> -> memref<10000x128xf32, #tpu.memory_space<hbm>>
        %dma_start3A_135 = tpu.memref_slice %arg12[%rem3A_67] : memref<2x!tpu.dma_semaphore, #tpu.memory_space<semaphore_mem>> -> memref<1x!tpu.dma_semaphore, #tpu.memory_space<semaphore_mem>>
        %dma_start3A_136 = tpu.memref_squeeze %dma_start3A_135 : memref<1x!tpu.dma_semaphore, #tpu.memory_space<semaphore_mem>> -> memref<!tpu.dma_semaphore, #tpu.memory_space<semaphore_mem>>
        tpu.enqueue_indirect_dma source(%dma_start3A_134 : memref<10000x128xf32, #tpu.memory_space<hbm>>) target(%dma_start3A_128 : memref<128x128xf32, #tpu.memory_space<vmem>>) offsets(%dma_start3A_131 : memref<128xi32, #tpu.memory_space<vmem>>) semaphore(%dma_start3A_136 : memref<!tpu.dma_semaphore, #tpu.memory_space<semaphore_mem>>)
      } else {
      }
      %dma_wait3A_78 = arith.constant 0 : i32
      %dma_wait3A_79 = arith.constant 0 : i32
      %dma_wait3A_80 = tpu.memref_slice %arg9[%rem3A_63, %dma_wait3A_78, %dma_wait3A_79] : memref<2x128x128xf32, #tpu.memory_space<vmem>> -> memref<1x128x128xf32, #tpu.memory_space<vmem>>
      %dma_wait3A_81 = tpu.memref_squeeze %dma_wait3A_80 : memref<1x128x128xf32, #tpu.memory_space<vmem>> -> memref<128x128xf32, #tpu.memory_space<vmem>>
      %dma_wait3A_82 = arith.constant 0 : i32
      %dma_wait3A_83 = tpu.memref_slice %arg7[%rem3A_63, %dma_wait3A_82] : memref<2x128xi32, #tpu.memory_space<vmem>> -> memref<1x128xi32, #tpu.memory_space<vmem>>
      %dma_wait3A_84 = tpu.memref_squeeze %dma_wait3A_83 : memref<1x128xi32, #tpu.memory_space<vmem>> -> memref<128xi32, #tpu.memory_space<vmem>>
      %dma_wait3A_85 = arith.constant 0 : i32
      %dma_wait3A_86 = arith.constant 0 : i32
      %dma_wait3A_87 = tpu.memref_slice %arg2[%dma_wait3A_85, %dma_wait3A_86] : memref<10000x128xf32, #tpu.memory_space<hbm>> -> memref<10000x128xf32, #tpu.memory_space<hbm>>
      %dma_wait3A_88 = tpu.memref_slice %arg12[%rem3A_63] : memref<2x!tpu.dma_semaphore, #tpu.memory_space<semaphore_mem>> -> memref<1x!tpu.dma_semaphore, #tpu.memory_space<semaphore_mem>>
      %dma_wait3A_89 = tpu.memref_squeeze %dma_wait3A_88 : memref<1x!tpu.dma_semaphore, #tpu.memory_space<semaphore_mem>> -> memref<!tpu.dma_semaphore, #tpu.memory_space<semaphore_mem>>
      tpu.wait_indirect_dma semaphore(%dma_wait3A_89 : memref<!tpu.dma_semaphore, #tpu.memory_space<semaphore_mem>>) src(%dma_wait3A_87 : memref<10000x128xf32, #tpu.memory_space<hbm>>) dst(%dma_wait3A_81 : memref<128x128xf32, #tpu.memory_space<vmem>>)
      %add3A_90 = arith.constant 2 : i32
      %add3A_91 = arith.addi %scan3A_61, %add3A_90 : i32
      %lt3A_92 = arith.constant 79 : i32
      %lt3A_93 = arith.cmpi slt, %add3A_91, %lt3A_92 : i32
      %convert_element_type3A_94 = arith.extui %lt3A_93 : i1 to i32
      %cond3A_95 = arith.constant 0 : i32
      %cond3A_96 = arith.cmpi ne, %convert_element_type3A_94, %cond3A_95 : i32
      scf.if %cond3A_96 {
        %add3A_109 = arith.constant 2 : i32
        %add3A_110 = arith.addi %scan3A_61, %add3A_109 : i32
        %dma_start3A_111 = arith.constant 0 : i32
        %dma_start3A_112 = tpu.memref_slice %arg7[%rem3A_63, %dma_start3A_111] : memref<2x128xi32, #tpu.memory_space<vmem>> -> memref<1x128xi32, #tpu.memory_space<vmem>>
        %dma_start3A_113 = tpu.memref_squeeze %dma_start3A_112 : memref<1x128xi32, #tpu.memory_space<vmem>> -> memref<128xi32, #tpu.memory_space<vmem>>
        %dma_start3A_114 = arith.constant 0 : i32
        %dma_start3A_115 = tpu.memref_slice %arg3[%add3A, %add3A_110, %dma_start3A_114] : memref<32x79x128xi32, #tpu.memory_space<hbm>> -> memref<1x1x128xi32, #tpu.memory_space<hbm>>
        %dma_start3A_116 = tpu.memref_squeeze %dma_start3A_115 : memref<1x1x128xi32, #tpu.memory_space<hbm>> -> memref<128xi32, #tpu.memory_space<hbm>>
        %dma_start3A_117 = tpu.memref_slice %arg11[%rem3A_63] : memref<2x!tpu.dma_semaphore, #tpu.memory_space<semaphore_mem>> -> memref<1x!tpu.dma_semaphore, #tpu.memory_space<semaphore_mem>>
        %dma_start3A_118 = tpu.memref_squeeze %dma_start3A_117 : memref<1x!tpu.dma_semaphore, #tpu.memory_space<semaphore_mem>> -> memref<!tpu.dma_semaphore, #tpu.memory_space<semaphore_mem>>
        %dma_start3A_119 = arith.constant 0 : i32
        %dma_start3A_120 = tpu.memref_slice %arg7[%rem3A_63, %dma_start3A_119] : memref<2x128xi32, #tpu.memory_space<vmem>> -> memref<1x128xi32, #tpu.memory_space<vmem>>
        %dma_start3A_121 = tpu.memref_squeeze %dma_start3A_120 : memref<1x128xi32, #tpu.memory_space<vmem>> -> memref<128xi32, #tpu.memory_space<vmem>>
        %dma_start3A_122 = arith.constant 0 : i32
        %dma_start3A_123 = tpu.memref_slice %arg3[%add3A, %add3A_110, %dma_start3A_122] : memref<32x79x128xi32, #tpu.memory_space<hbm>> -> memref<1x1x128xi32, #tpu.memory_space<hbm>>
        %dma_start3A_124 = tpu.memref_squeeze %dma_start3A_123 : memref<1x1x128xi32, #tpu.memory_space<hbm>> -> memref<128xi32, #tpu.memory_space<hbm>>
        tpu.enqueue_dma source(%dma_start3A_124 : memref<128xi32, #tpu.memory_space<hbm>>) target(%dma_start3A_121 : memref<128xi32, #tpu.memory_space<vmem>>) target_semaphore(%dma_start3A_118 : memref<!tpu.dma_semaphore, #tpu.memory_space<semaphore_mem>>)
      } else {
      }
      %dma_start3A_97 = arith.constant 0 : i32
      %dma_start3A_98 = arith.constant 0 : i32
      %dma_start3A_99 = tpu.memref_slice %arg9[%rem3A_63, %dma_start3A_97, %dma_start3A_98] : memref<2x128x128xf32, #tpu.memory_space<vmem>> -> memref<1x128x128xf32, #tpu.memory_space<vmem>>
      %dma_start3A_100 = tpu.memref_squeeze %dma_start3A_99 : memref<1x128x128xf32, #tpu.memory_space<vmem>> -> memref<128x128xf32, #tpu.memory_space<vmem>>
      %dma_start3A_101 = arith.constant 0 : i32
      %dma_start3A_102 = tpu.memref_slice %arg8[%scan3A_61, %dma_start3A_101] : memref<79x128xi32, #tpu.memory_space<vmem>> -> memref<1x128xi32, #tpu.memory_space<vmem>>
      %dma_start3A_103 = tpu.memref_squeeze %dma_start3A_102 : memref<1x128xi32, #tpu.memory_space<vmem>> -> memref<128xi32, #tpu.memory_space<vmem>>
      %dma_start3A_104 = arith.constant 0 : i32
      %dma_start3A_105 = arith.constant 0 : i32
      %dma_start3A_106 = tpu.memref_slice %arg10[%dma_start3A_104, %dma_start3A_105] : memref<10016x128xf32, #tpu.memory_space<vmem_shared>> -> memref<10016x128xf32, #tpu.memory_space<vmem_shared>>
      %dma_start3A_107 = tpu.memref_slice %arg13[%rem3A_63] : memref<2x!tpu.dma_semaphore, #tpu.memory_space<semaphore_mem>> -> memref<1x!tpu.dma_semaphore, #tpu.memory_space<semaphore_mem>>
      %dma_start3A_108 = tpu.memref_squeeze %dma_start3A_107 : memref<1x!tpu.dma_semaphore, #tpu.memory_space<semaphore_mem>> -> memref<!tpu.dma_semaphore, #tpu.memory_space<semaphore_mem>>
      tpu.enqueue_indirect_dma source(%dma_start3A_100 : memref<128x128xf32, #tpu.memory_space<vmem>>) target(%dma_start3A_106 : memref<10016x128xf32, #tpu.memory_space<vmem_shared>>) offsets(%dma_start3A_103 : memref<128xi32, #tpu.memory_space<vmem>>) semaphore(%dma_start3A_108 : memref<!tpu.dma_semaphore, #tpu.memory_space<semaphore_mem>>) {add = true}
    }
    %scan3A_39 = arith.constant 79 : i32
    %rem3A = arith.constant 78 : i32
    %rem3A_40 = arith.constant 2 : i32
    %rem3A_41 = arith.remsi %rem3A, %rem3A_40 : i32
    %dma_wait3A = arith.constant 0 : i32
    %dma_wait3A_42 = arith.constant 0 : i32
    %dma_wait3A_43 = arith.constant 0 : i32
    %dma_wait3A_44 = arith.constant 0 : i32
    %dma_wait3A_45 = tpu.memref_slice %arg9[%dma_wait3A, %dma_wait3A_43, %dma_wait3A_44] : memref<2x128x128xf32, #tpu.memory_space<vmem>> -> memref<1x128x128xf32, #tpu.memory_space<vmem>>
    %dma_wait3A_46 = tpu.memref_squeeze %dma_wait3A_45 : memref<1x128x128xf32, #tpu.memory_space<vmem>> -> memref<128x128xf32, #tpu.memory_space<vmem>>
    %dma_wait3A_47 = arith.constant 0 : i32
    %dma_wait3A_48 = tpu.memref_slice %arg8[%dma_wait3A_42, %dma_wait3A_47] : memref<79x128xi32, #tpu.memory_space<vmem>> -> memref<1x128xi32, #tpu.memory_space<vmem>>
    %dma_wait3A_49 = tpu.memref_squeeze %dma_wait3A_48 : memref<1x128xi32, #tpu.memory_space<vmem>> -> memref<128xi32, #tpu.memory_space<vmem>>
    %dma_wait3A_50 = arith.constant 0 : i32
    %dma_wait3A_51 = arith.constant 0 : i32
    %dma_wait3A_52 = tpu.memref_slice %arg10[%dma_wait3A_50, %dma_wait3A_51] : memref<10016x128xf32, #tpu.memory_space<vmem_shared>> -> memref<10016x128xf32, #tpu.memory_space<vmem_shared>>
    %dma_wait3A_53 = tpu.memref_slice %arg13[%rem3A_41] : memref<2x!tpu.dma_semaphore, #tpu.memory_space<semaphore_mem>> -> memref<1x!tpu.dma_semaphore, #tpu.memory_space<semaphore_mem>>
    %dma_wait3A_54 = tpu.memref_squeeze %dma_wait3A_53 : memref<1x!tpu.dma_semaphore, #tpu.memory_space<semaphore_mem>> -> memref<!tpu.dma_semaphore, #tpu.memory_space<semaphore_mem>>
    tpu.wait_indirect_dma semaphore(%dma_wait3A_54 : memref<!tpu.dma_semaphore, #tpu.memory_space<semaphore_mem>>) src(%dma_wait3A_46 : memref<128x128xf32, #tpu.memory_space<vmem>>) dst(%dma_wait3A_52 : memref<10016x128xf32, #tpu.memory_space<vmem_shared>>)
    %barrier3A_55 = arith.constant 0 : index
    tpu.barrier barrier_id(%barrier3A_55)
    %eq3A_56 = arith.constant 0 : i32
    %eq3A_57 = arith.cmpi eq, %arg1, %eq3A_56 : i32
    %convert_element_type3A_58 = arith.extui %eq3A_57 : i1 to i32
    %cond3A_59 = arith.constant 0 : i32
    %cond3A_60 = arith.cmpi ne, %convert_element_type3A_58, %cond3A_59 : i32
    scf.if %cond3A_60 {
      "tpu.region"() ({
        %run_scoped3A_61 = tpu.sem_alloc : memref<!tpu.dma_semaphore, #tpu.memory_space<semaphore_mem>>
        %dma_start3A_62 = arith.constant 0 : i32
        %dma_start3A_63 = arith.constant 0 : i32
        %dma_start3A_64 = tpu.memref_slice %arg6[%arg0, %dma_start3A_62, %dma_start3A_63] : memref<2x10016x128xf32, #tpu.memory_space<hbm>> -> memref<1x10016x128xf32, #tpu.memory_space<hbm>>
        %dma_start3A_65 = tpu.memref_squeeze %dma_start3A_64 : memref<1x10016x128xf32, #tpu.memory_space<hbm>> -> memref<10016x128xf32, #tpu.memory_space<hbm>>
        tpu.enqueue_dma source(%arg10 : memref<10016x128xf32, #tpu.memory_space<vmem_shared>>) target(%dma_start3A_65 : memref<10016x128xf32, #tpu.memory_space<hbm>>) target_semaphore(%run_scoped3A_61 : memref<!tpu.dma_semaphore, #tpu.memory_space<semaphore_mem>>)
        %dma_wait3A_66 = arith.constant 0 : i32
        %dma_wait3A_67 = arith.constant 0 : i32
        %dma_wait3A_68 = tpu.memref_slice %arg6[%arg0, %dma_wait3A_66, %dma_wait3A_67] : memref<2x10016x128xf32, #tpu.memory_space<hbm>> -> memref<1x10016x128xf32, #tpu.memory_space<hbm>>
        %dma_wait3A_69 = tpu.memref_squeeze %dma_wait3A_68 : memref<1x10016x128xf32, #tpu.memory_space<hbm>> -> memref<10016x128xf32, #tpu.memory_space<hbm>>
        tpu.wait_dma2 semaphore(%run_scoped3A_61 : memref<!tpu.dma_semaphore, #tpu.memory_space<semaphore_mem>>) src(%arg10 : memref<10016x128xf32, #tpu.memory_space<vmem_shared>>) dst(%dma_wait3A_69 : memref<10016x128xf32, #tpu.memory_space<hbm>>)
        tpu.yield
      }) : () -> ()
    } else {
    }
    return
  }
}

#map = affine_map<(d0, d1) -> (0, 0, 0)>
#map1 = affine_map<(d0, d1) -> (0, 0)>
module attributes {stable_mosaic.version = 14 : i64} {
  func.func @_sc_degree(%arg0: i32, %arg1: i32, %arg2: memref<32x79x128xi32, #tpu.memory_space<hbm>>, %arg3: memref<128x128xf32, #tpu.memory_space<hbm>>, %arg4: memref<10016x128xf32, #tpu.memory_space<hbm>>, %arg5: memref<2x10016x128xf32, #tpu.memory_space<hbm>>, %arg6: memref<79x128xi32, #tpu.memory_space<vmem>>, %arg7: memref<128x128xf32, #tpu.memory_space<vmem>>, %arg8: memref<10016x128xf32, #tpu.memory_space<vmem_shared>>, %arg9: memref<2x!tpu.dma_semaphore, #tpu.memory_space<semaphore_mem>>) attributes {dimension_semantics = [#tpu.dimension_semantics<core_parallel>, #tpu.dimension_semantics<subcore_parallel>], iteration_bounds = array<i64: 2, 16>, scalar_prefetch = 0 : i64, scratch_operands = 4 : i64, tpu.core_type = #tpu.core_type<sc_vector_subcore>, window_params = [{transform_indices = #map}, {transform_indices = #map1}, {transform_indices = #map1}, {transform_indices = #map}]} {
    %mul3A = arith.constant 16 : i32
    %mul3A_0 = arith.muli %arg0, %mul3A : i32
    %add3A = arith.addi %mul3A_0, %arg1 : i32
    "tpu.region"() ({
      %run_scoped3A = tpu.sem_alloc : memref<!tpu.dma_semaphore, #tpu.memory_space<semaphore_mem>>
      %dma_start3A = arith.constant 0 : i32
      %dma_start3A_33 = arith.constant 0 : i32
      %dma_start3A_34 = tpu.memref_slice %arg2[%add3A, %dma_start3A, %dma_start3A_33] : memref<32x79x128xi32, #tpu.memory_space<hbm>> -> memref<1x79x128xi32, #tpu.memory_space<hbm>>
      %dma_start3A_35 = tpu.memref_squeeze %dma_start3A_34 : memref<1x79x128xi32, #tpu.memory_space<hbm>> -> memref<79x128xi32, #tpu.memory_space<hbm>>
      %dma_start3A_36 = arith.constant 0 : i32
      %dma_start3A_37 = arith.constant 0 : i32
      %dma_start3A_38 = tpu.memref_slice %arg2[%add3A, %dma_start3A_36, %dma_start3A_37] : memref<32x79x128xi32, #tpu.memory_space<hbm>> -> memref<1x79x128xi32, #tpu.memory_space<hbm>>
      %dma_start3A_39 = tpu.memref_squeeze %dma_start3A_38 : memref<1x79x128xi32, #tpu.memory_space<hbm>> -> memref<79x128xi32, #tpu.memory_space<hbm>>
      tpu.enqueue_dma source(%dma_start3A_39 : memref<79x128xi32, #tpu.memory_space<hbm>>) target(%arg6 : memref<79x128xi32, #tpu.memory_space<vmem>>) target_semaphore(%run_scoped3A : memref<!tpu.dma_semaphore, #tpu.memory_space<semaphore_mem>>)
      %dma_wait3A_40 = arith.constant 0 : i32
      %dma_wait3A_41 = arith.constant 0 : i32
      %dma_wait3A_42 = tpu.memref_slice %arg2[%add3A, %dma_wait3A_40, %dma_wait3A_41] : memref<32x79x128xi32, #tpu.memory_space<hbm>> -> memref<1x79x128xi32, #tpu.memory_space<hbm>>
      %dma_wait3A_43 = tpu.memref_squeeze %dma_wait3A_42 : memref<1x79x128xi32, #tpu.memory_space<hbm>> -> memref<79x128xi32, #tpu.memory_space<hbm>>
      %dma_wait3A_44 = arith.constant 0 : i32
      %dma_wait3A_45 = arith.constant 0 : i32
      %dma_wait3A_46 = tpu.memref_slice %arg2[%add3A, %dma_wait3A_44, %dma_wait3A_45] : memref<32x79x128xi32, #tpu.memory_space<hbm>> -> memref<1x79x128xi32, #tpu.memory_space<hbm>>
      %dma_wait3A_47 = tpu.memref_squeeze %dma_wait3A_46 : memref<1x79x128xi32, #tpu.memory_space<hbm>> -> memref<79x128xi32, #tpu.memory_space<hbm>>
      tpu.wait_dma2 semaphore(%run_scoped3A : memref<!tpu.dma_semaphore, #tpu.memory_space<semaphore_mem>>) src(%dma_wait3A_47 : memref<79x128xi32, #tpu.memory_space<hbm>>) dst(%arg6 : memref<79x128xi32, #tpu.memory_space<vmem>>)
      tpu.yield
    }) : () -> ()
    "tpu.region"() ({
      %run_scoped3A = tpu.sem_alloc : memref<!tpu.dma_semaphore, #tpu.memory_space<semaphore_mem>>
      tpu.enqueue_dma source(%arg3 : memref<128x128xf32, #tpu.memory_space<hbm>>) target(%arg7 : memref<128x128xf32, #tpu.memory_space<vmem>>) target_semaphore(%run_scoped3A : memref<!tpu.dma_semaphore, #tpu.memory_space<semaphore_mem>>)
      tpu.wait_dma2 semaphore(%run_scoped3A : memref<!tpu.dma_semaphore, #tpu.memory_space<semaphore_mem>>) src(%arg3 : memref<128x128xf32, #tpu.memory_space<hbm>>) dst(%arg7 : memref<128x128xf32, #tpu.memory_space<vmem>>)
      tpu.yield
    }) : () -> ()
    %eq3A = arith.constant 0 : i32
    %eq3A_1 = arith.cmpi eq, %arg1, %eq3A : i32
    %convert_element_type3A = arith.extui %eq3A_1 : i1 to i32
    %cond3A = arith.constant 0 : i32
    %cond3A_2 = arith.cmpi ne, %convert_element_type3A, %cond3A : i32
    scf.if %cond3A_2 {
      "tpu.region"() ({
        %run_scoped3A = tpu.sem_alloc : memref<!tpu.dma_semaphore, #tpu.memory_space<semaphore_mem>>
        tpu.enqueue_dma source(%arg4 : memref<10016x128xf32, #tpu.memory_space<hbm>>) target(%arg8 : memref<10016x128xf32, #tpu.memory_space<vmem_shared>>) target_semaphore(%run_scoped3A : memref<!tpu.dma_semaphore, #tpu.memory_space<semaphore_mem>>)
        tpu.wait_dma2 semaphore(%run_scoped3A : memref<!tpu.dma_semaphore, #tpu.memory_space<semaphore_mem>>) src(%arg4 : memref<10016x128xf32, #tpu.memory_space<hbm>>) dst(%arg8 : memref<10016x128xf32, #tpu.memory_space<vmem_shared>>)
        tpu.yield
      }) : () -> ()
    } else {
    }
    %barrier3A = arith.constant 0 : index
    tpu.barrier barrier_id(%barrier3A)
    %scan3A = arith.constant 0 : i32
    %scan3A_3 = arith.constant 0 : i32
    %scan3A_4 = arith.constant 79 : i32
    %scan3A_5 = arith.addi %scan3A_3, %scan3A_4 : i32
    %scan3A_6 = arith.constant 1 : i32
    scf.for %scan3A_33 = %scan3A_3 to %scan3A_5 step %scan3A_6  : i32 {
      %rem3A = arith.constant 2 : i32
      %rem3A_34 = arith.remsi %scan3A_33, %rem3A : i32
      %ge3A = arith.constant 2 : i32
      %ge3A_35 = arith.cmpi sge, %scan3A_33, %ge3A : i32
      %convert_element_type3A_36 = arith.extui %ge3A_35 : i1 to i32
      %cond3A_37 = arith.constant 0 : i32
      %cond3A_38 = arith.cmpi ne, %convert_element_type3A_36, %cond3A_37 : i32
      scf.if %cond3A_38 {
        %dma_wait3A_46 = arith.constant 0 : i32
        %dma_wait3A_47 = tpu.memref_slice %arg6[%scan3A_33, %dma_wait3A_46] : memref<79x128xi32, #tpu.memory_space<vmem>> -> memref<1x128xi32, #tpu.memory_space<vmem>>
        %dma_wait3A_48 = tpu.memref_squeeze %dma_wait3A_47 : memref<1x128xi32, #tpu.memory_space<vmem>> -> memref<128xi32, #tpu.memory_space<vmem>>
        %dma_wait3A_49 = arith.constant 0 : i32
        %dma_wait3A_50 = arith.constant 0 : i32
        %dma_wait3A_51 = tpu.memref_slice %arg8[%dma_wait3A_49, %dma_wait3A_50] : memref<10016x128xf32, #tpu.memory_space<vmem_shared>> -> memref<10016x128xf32, #tpu.memory_space<vmem_shared>>
        %dma_wait3A_52 = tpu.memref_slice %arg9[%rem3A_34] : memref<2x!tpu.dma_semaphore, #tpu.memory_space<semaphore_mem>> -> memref<1x!tpu.dma_semaphore, #tpu.memory_space<semaphore_mem>>
        %dma_wait3A_53 = tpu.memref_squeeze %dma_wait3A_52 : memref<1x!tpu.dma_semaphore, #tpu.memory_space<semaphore_mem>> -> memref<!tpu.dma_semaphore, #tpu.memory_space<semaphore_mem>>
        tpu.wait_indirect_dma semaphore(%dma_wait3A_53 : memref<!tpu.dma_semaphore, #tpu.memory_space<semaphore_mem>>) src(%arg7 : memref<128x128xf32, #tpu.memory_space<vmem>>) dst(%dma_wait3A_51 : memref<10016x128xf32, #tpu.memory_space<vmem_shared>>)
      } else {
      }
      %dma_start3A = arith.constant 0 : i32
      %dma_start3A_39 = tpu.memref_slice %arg6[%scan3A_33, %dma_start3A] : memref<79x128xi32, #tpu.memory_space<vmem>> -> memref<1x128xi32, #tpu.memory_space<vmem>>
      %dma_start3A_40 = tpu.memref_squeeze %dma_start3A_39 : memref<1x128xi32, #tpu.memory_space<vmem>> -> memref<128xi32, #tpu.memory_space<vmem>>
      %dma_start3A_41 = arith.constant 0 : i32
      %dma_start3A_42 = arith.constant 0 : i32
      %dma_start3A_43 = tpu.memref_slice %arg8[%dma_start3A_41, %dma_start3A_42] : memref<10016x128xf32, #tpu.memory_space<vmem_shared>> -> memref<10016x128xf32, #tpu.memory_space<vmem_shared>>
      %dma_start3A_44 = tpu.memref_slice %arg9[%rem3A_34] : memref<2x!tpu.dma_semaphore, #tpu.memory_space<semaphore_mem>> -> memref<1x!tpu.dma_semaphore, #tpu.memory_space<semaphore_mem>>
      %dma_start3A_45 = tpu.memref_squeeze %dma_start3A_44 : memref<1x!tpu.dma_semaphore, #tpu.memory_space<semaphore_mem>> -> memref<!tpu.dma_semaphore, #tpu.memory_space<semaphore_mem>>
      tpu.enqueue_indirect_dma source(%arg7 : memref<128x128xf32, #tpu.memory_space<vmem>>) target(%dma_start3A_43 : memref<10016x128xf32, #tpu.memory_space<vmem_shared>>) offsets(%dma_start3A_40 : memref<128xi32, #tpu.memory_space<vmem>>) semaphore(%dma_start3A_45 : memref<!tpu.dma_semaphore, #tpu.memory_space<semaphore_mem>>) {add = true}
    }
    %scan3A_7 = arith.constant 79 : i32
    %dma_wait3A = arith.constant 0 : i32
    %dma_wait3A_8 = arith.constant 0 : i32
    %dma_wait3A_9 = arith.constant 0 : i32
    %dma_wait3A_10 = tpu.memref_slice %arg6[%dma_wait3A, %dma_wait3A_9] : memref<79x128xi32, #tpu.memory_space<vmem>> -> memref<1x128xi32, #tpu.memory_space<vmem>>
    %dma_wait3A_11 = tpu.memref_squeeze %dma_wait3A_10 : memref<1x128xi32, #tpu.memory_space<vmem>> -> memref<128xi32, #tpu.memory_space<vmem>>
    %dma_wait3A_12 = arith.constant 0 : i32
    %dma_wait3A_13 = arith.constant 0 : i32
    %dma_wait3A_14 = tpu.memref_slice %arg8[%dma_wait3A_12, %dma_wait3A_13] : memref<10016x128xf32, #tpu.memory_space<vmem_shared>> -> memref<10016x128xf32, #tpu.memory_space<vmem_shared>>
    %dma_wait3A_15 = tpu.memref_slice %arg9[%dma_wait3A_8] : memref<2x!tpu.dma_semaphore, #tpu.memory_space<semaphore_mem>> -> memref<1x!tpu.dma_semaphore, #tpu.memory_space<semaphore_mem>>
    %dma_wait3A_16 = tpu.memref_squeeze %dma_wait3A_15 : memref<1x!tpu.dma_semaphore, #tpu.memory_space<semaphore_mem>> -> memref<!tpu.dma_semaphore, #tpu.memory_space<semaphore_mem>>
    tpu.wait_indirect_dma semaphore(%dma_wait3A_16 : memref<!tpu.dma_semaphore, #tpu.memory_space<semaphore_mem>>) src(%arg7 : memref<128x128xf32, #tpu.memory_space<vmem>>) dst(%dma_wait3A_14 : memref<10016x128xf32, #tpu.memory_space<vmem_shared>>)
    %dma_wait3A_17 = arith.constant 0 : i32
    %dma_wait3A_18 = arith.constant 1 : i32
    %dma_wait3A_19 = arith.constant 0 : i32
    %dma_wait3A_20 = tpu.memref_slice %arg6[%dma_wait3A_17, %dma_wait3A_19] : memref<79x128xi32, #tpu.memory_space<vmem>> -> memref<1x128xi32, #tpu.memory_space<vmem>>
    %dma_wait3A_21 = tpu.memref_squeeze %dma_wait3A_20 : memref<1x128xi32, #tpu.memory_space<vmem>> -> memref<128xi32, #tpu.memory_space<vmem>>
    %dma_wait3A_22 = arith.constant 0 : i32
    %dma_wait3A_23 = arith.constant 0 : i32
    %dma_wait3A_24 = tpu.memref_slice %arg8[%dma_wait3A_22, %dma_wait3A_23] : memref<10016x128xf32, #tpu.memory_space<vmem_shared>> -> memref<10016x128xf32, #tpu.memory_space<vmem_shared>>
    %dma_wait3A_25 = tpu.memref_slice %arg9[%dma_wait3A_18] : memref<2x!tpu.dma_semaphore, #tpu.memory_space<semaphore_mem>> -> memref<1x!tpu.dma_semaphore, #tpu.memory_space<semaphore_mem>>
    %dma_wait3A_26 = tpu.memref_squeeze %dma_wait3A_25 : memref<1x!tpu.dma_semaphore, #tpu.memory_space<semaphore_mem>> -> memref<!tpu.dma_semaphore, #tpu.memory_space<semaphore_mem>>
    tpu.wait_indirect_dma semaphore(%dma_wait3A_26 : memref<!tpu.dma_semaphore, #tpu.memory_space<semaphore_mem>>) src(%arg7 : memref<128x128xf32, #tpu.memory_space<vmem>>) dst(%dma_wait3A_24 : memref<10016x128xf32, #tpu.memory_space<vmem_shared>>)
    %barrier3A_27 = arith.constant 0 : index
    tpu.barrier barrier_id(%barrier3A_27)
    %eq3A_28 = arith.constant 0 : i32
    %eq3A_29 = arith.cmpi eq, %arg1, %eq3A_28 : i32
    %convert_element_type3A_30 = arith.extui %eq3A_29 : i1 to i32
    %cond3A_31 = arith.constant 0 : i32
    %cond3A_32 = arith.cmpi ne, %convert_element_type3A_30, %cond3A_31 : i32
    scf.if %cond3A_32 {
      "tpu.region"() ({
        %run_scoped3A = tpu.sem_alloc : memref<!tpu.dma_semaphore, #tpu.memory_space<semaphore_mem>>
        %dma_start3A = arith.constant 0 : i32
        %dma_start3A_33 = arith.constant 0 : i32
        %dma_start3A_34 = tpu.memref_slice %arg5[%arg0, %dma_start3A, %dma_start3A_33] : memref<2x10016x128xf32, #tpu.memory_space<hbm>> -> memref<1x10016x128xf32, #tpu.memory_space<hbm>>
        %dma_start3A_35 = tpu.memref_squeeze %dma_start3A_34 : memref<1x10016x128xf32, #tpu.memory_space<hbm>> -> memref<10016x128xf32, #tpu.memory_space<hbm>>
        tpu.enqueue_dma source(%arg8 : memref<10016x128xf32, #tpu.memory_space<vmem_shared>>) target(%dma_start3A_35 : memref<10016x128xf32, #tpu.memory_space<hbm>>) target_semaphore(%run_scoped3A : memref<!tpu.dma_semaphore, #tpu.memory_space<semaphore_mem>>)
        %dma_wait3A_36 = arith.constant 0 : i32
        %dma_wait3A_37 = arith.constant 0 : i32
        %dma_wait3A_38 = tpu.memref_slice %arg5[%arg0, %dma_wait3A_36, %dma_wait3A_37] : memref<2x10016x128xf32, #tpu.memory_space<hbm>> -> memref<1x10016x128xf32, #tpu.memory_space<hbm>>
        %dma_wait3A_39 = tpu.memref_squeeze %dma_wait3A_38 : memref<1x10016x128xf32, #tpu.memory_space<hbm>> -> memref<10016x128xf32, #tpu.memory_space<hbm>>
        tpu.wait_dma2 semaphore(%run_scoped3A : memref<!tpu.dma_semaphore, #tpu.memory_space<semaphore_mem>>) src(%arg8 : memref<10016x128xf32, #tpu.memory_space<vmem_shared>>) dst(%dma_wait3A_39 : memref<10016x128xf32, #tpu.memory_space<hbm>>)
        tpu.yield
      }) : () -> ()
    } else {
    }
    return
  }
}

#map = affine_map<(d0, d1) -> (0, 0)>
#map1 = affine_map<(d0, d1) -> (0, 0, 0)>
module attributes {stable_mosaic.version = 14 : i64} {
  func.func @_sc_edge_sum(%arg0: i32, %arg1: i32, %arg2: memref<10016x128xf32, #tpu.memory_space<hbm>>, %arg3: memref<32x79x128xi32, #tpu.memory_space<hbm>>, %arg4: memref<32x79x128xi32, #tpu.memory_space<hbm>>, %arg5: memref<323584x128xf32, #tpu.memory_space<hbm>>, %arg6: memref<79x128xi32, #tpu.memory_space<vmem>>, %arg7: memref<79x128xi32, #tpu.memory_space<vmem>>, %arg8: memref<3x128x128xf32, #tpu.memory_space<vmem>>, %arg9: memref<3x128x128xf32, #tpu.memory_space<vmem>>, %arg10: memref<3x!tpu.dma_semaphore, #tpu.memory_space<semaphore_mem>>, %arg11: memref<3x!tpu.dma_semaphore, #tpu.memory_space<semaphore_mem>>, %arg12: memref<3x!tpu.dma_semaphore, #tpu.memory_space<semaphore_mem>>) attributes {dimension_semantics = [#tpu.dimension_semantics<core_parallel>, #tpu.dimension_semantics<subcore_parallel>], iteration_bounds = array<i64: 2, 16>, scalar_prefetch = 0 : i64, scratch_operands = 7 : i64, tpu.core_type = #tpu.core_type<sc_vector_subcore>, window_params = [{transform_indices = #map}, {transform_indices = #map1}, {transform_indices = #map1}, {transform_indices = #map}]} {
    %mul3A = arith.constant 16 : i32
    %mul3A_0 = arith.muli %arg0, %mul3A : i32
    %add3A = arith.addi %mul3A_0, %arg1 : i32
    "tpu.region"() ({
      %run_scoped3A = tpu.sem_alloc : memref<!tpu.dma_semaphore, #tpu.memory_space<semaphore_mem>>
      %dma_start3A_77 = arith.constant 0 : i32
      %dma_start3A_78 = arith.constant 0 : i32
      %dma_start3A_79 = tpu.memref_slice %arg3[%add3A, %dma_start3A_77, %dma_start3A_78] : memref<32x79x128xi32, #tpu.memory_space<hbm>> -> memref<1x79x128xi32, #tpu.memory_space<hbm>>
      %dma_start3A_80 = tpu.memref_squeeze %dma_start3A_79 : memref<1x79x128xi32, #tpu.memory_space<hbm>> -> memref<79x128xi32, #tpu.memory_space<hbm>>
      %dma_start3A_81 = arith.constant 0 : i32
      %dma_start3A_82 = arith.constant 0 : i32
      %dma_start3A_83 = tpu.memref_slice %arg3[%add3A, %dma_start3A_81, %dma_start3A_82] : memref<32x79x128xi32, #tpu.memory_space<hbm>> -> memref<1x79x128xi32, #tpu.memory_space<hbm>>
      %dma_start3A_84 = tpu.memref_squeeze %dma_start3A_83 : memref<1x79x128xi32, #tpu.memory_space<hbm>> -> memref<79x128xi32, #tpu.memory_space<hbm>>
      tpu.enqueue_dma source(%dma_start3A_84 : memref<79x128xi32, #tpu.memory_space<hbm>>) target(%arg6 : memref<79x128xi32, #tpu.memory_space<vmem>>) target_semaphore(%run_scoped3A : memref<!tpu.dma_semaphore, #tpu.memory_space<semaphore_mem>>)
      %dma_wait3A_85 = arith.constant 0 : i32
      %dma_wait3A_86 = arith.constant 0 : i32
      %dma_wait3A_87 = tpu.memref_slice %arg3[%add3A, %dma_wait3A_85, %dma_wait3A_86] : memref<32x79x128xi32, #tpu.memory_space<hbm>> -> memref<1x79x128xi32, #tpu.memory_space<hbm>>
      %dma_wait3A_88 = tpu.memref_squeeze %dma_wait3A_87 : memref<1x79x128xi32, #tpu.memory_space<hbm>> -> memref<79x128xi32, #tpu.memory_space<hbm>>
      %dma_wait3A_89 = arith.constant 0 : i32
      %dma_wait3A_90 = arith.constant 0 : i32
      %dma_wait3A_91 = tpu.memref_slice %arg3[%add3A, %dma_wait3A_89, %dma_wait3A_90] : memref<32x79x128xi32, #tpu.memory_space<hbm>> -> memref<1x79x128xi32, #tpu.memory_space<hbm>>
      %dma_wait3A_92 = tpu.memref_squeeze %dma_wait3A_91 : memref<1x79x128xi32, #tpu.memory_space<hbm>> -> memref<79x128xi32, #tpu.memory_space<hbm>>
      tpu.wait_dma2 semaphore(%run_scoped3A : memref<!tpu.dma_semaphore, #tpu.memory_space<semaphore_mem>>) src(%dma_wait3A_92 : memref<79x128xi32, #tpu.memory_space<hbm>>) dst(%arg6 : memref<79x128xi32, #tpu.memory_space<vmem>>)
      tpu.yield
    }) : () -> ()
    "tpu.region"() ({
      %run_scoped3A = tpu.sem_alloc : memref<!tpu.dma_semaphore, #tpu.memory_space<semaphore_mem>>
      %dma_start3A_77 = arith.constant 0 : i32
      %dma_start3A_78 = arith.constant 0 : i32
      %dma_start3A_79 = tpu.memref_slice %arg4[%add3A, %dma_start3A_77, %dma_start3A_78] : memref<32x79x128xi32, #tpu.memory_space<hbm>> -> memref<1x79x128xi32, #tpu.memory_space<hbm>>
      %dma_start3A_80 = tpu.memref_squeeze %dma_start3A_79 : memref<1x79x128xi32, #tpu.memory_space<hbm>> -> memref<79x128xi32, #tpu.memory_space<hbm>>
      %dma_start3A_81 = arith.constant 0 : i32
      %dma_start3A_82 = arith.constant 0 : i32
      %dma_start3A_83 = tpu.memref_slice %arg4[%add3A, %dma_start3A_81, %dma_start3A_82] : memref<32x79x128xi32, #tpu.memory_space<hbm>> -> memref<1x79x128xi32, #tpu.memory_space<hbm>>
      %dma_start3A_84 = tpu.memref_squeeze %dma_start3A_83 : memref<1x79x128xi32, #tpu.memory_space<hbm>> -> memref<79x128xi32, #tpu.memory_space<hbm>>
      tpu.enqueue_dma source(%dma_start3A_84 : memref<79x128xi32, #tpu.memory_space<hbm>>) target(%arg7 : memref<79x128xi32, #tpu.memory_space<vmem>>) target_semaphore(%run_scoped3A : memref<!tpu.dma_semaphore, #tpu.memory_space<semaphore_mem>>)
      %dma_wait3A_85 = arith.constant 0 : i32
      %dma_wait3A_86 = arith.constant 0 : i32
      %dma_wait3A_87 = tpu.memref_slice %arg4[%add3A, %dma_wait3A_85, %dma_wait3A_86] : memref<32x79x128xi32, #tpu.memory_space<hbm>> -> memref<1x79x128xi32, #tpu.memory_space<hbm>>
      %dma_wait3A_88 = tpu.memref_squeeze %dma_wait3A_87 : memref<1x79x128xi32, #tpu.memory_space<hbm>> -> memref<79x128xi32, #tpu.memory_space<hbm>>
      %dma_wait3A_89 = arith.constant 0 : i32
      %dma_wait3A_90 = arith.constant 0 : i32
      %dma_wait3A_91 = tpu.memref_slice %arg4[%add3A, %dma_wait3A_89, %dma_wait3A_90] : memref<32x79x128xi32, #tpu.memory_space<hbm>> -> memref<1x79x128xi32, #tpu.memory_space<hbm>>
      %dma_wait3A_92 = tpu.memref_squeeze %dma_wait3A_91 : memref<1x79x128xi32, #tpu.memory_space<hbm>> -> memref<79x128xi32, #tpu.memory_space<hbm>>
      tpu.wait_dma2 semaphore(%run_scoped3A : memref<!tpu.dma_semaphore, #tpu.memory_space<semaphore_mem>>) src(%dma_wait3A_92 : memref<79x128xi32, #tpu.memory_space<hbm>>) dst(%arg7 : memref<79x128xi32, #tpu.memory_space<vmem>>)
      tpu.yield
    }) : () -> ()
    %dma_start3A = arith.constant 0 : i32
    %dma_start3A_1 = arith.constant 0 : i32
    %dma_start3A_2 = arith.constant 0 : i32
    %dma_start3A_3 = arith.constant 0 : i32
    %dma_start3A_4 = arith.constant 0 : i32
    %dma_start3A_5 = tpu.memref_slice %arg8[%dma_start3A_1, %dma_start3A_3, %dma_start3A_4] : memref<3x128x128xf32, #tpu.memory_space<vmem>> -> memref<1x128x128xf32, #tpu.memory_space<vmem>>
    %dma_start3A_6 = tpu.memref_squeeze %dma_start3A_5 : memref<1x128x128xf32, #tpu.memory_space<vmem>> -> memref<128x128xf32, #tpu.memory_space<vmem>>
    %dma_start3A_7 = arith.constant 0 : i32
    %dma_start3A_8 = tpu.memref_slice %arg6[%dma_start3A, %dma_start3A_7] : memref<79x128xi32, #tpu.memory_space<vmem>> -> memref<1x128xi32, #tpu.memory_space<vmem>>
    %dma_start3A_9 = tpu.memref_squeeze %dma_start3A_8 : memref<1x128xi32, #tpu.memory_space<vmem>> -> memref<128xi32, #tpu.memory_space<vmem>>
    %dma_start3A_10 = arith.constant 0 : i32
    %dma_start3A_11 = arith.constant 0 : i32
    %dma_start3A_12 = tpu.memref_slice %arg2[%dma_start3A_10, %dma_start3A_11] : memref<10016x128xf32, #tpu.memory_space<hbm>> -> memref<10016x128xf32, #tpu.memory_space<hbm>>
    %dma_start3A_13 = tpu.memref_slice %arg10[%dma_start3A_2] : memref<3x!tpu.dma_semaphore, #tpu.memory_space<semaphore_mem>> -> memref<1x!tpu.dma_semaphore, #tpu.memory_space<semaphore_mem>>
    %dma_start3A_14 = tpu.memref_squeeze %dma_start3A_13 : memref<1x!tpu.dma_semaphore, #tpu.memory_space<semaphore_mem>> -> memref<!tpu.dma_semaphore, #tpu.memory_space<semaphore_mem>>
    tpu.enqueue_indirect_dma source(%dma_start3A_12 : memref<10016x128xf32, #tpu.memory_space<hbm>>) target(%dma_start3A_6 : memref<128x128xf32, #tpu.memory_space<vmem>>) offsets(%dma_start3A_9 : memref<128xi32, #tpu.memory_space<vmem>>) semaphore(%dma_start3A_14 : memref<!tpu.dma_semaphore, #tpu.memory_space<semaphore_mem>>)
    %dma_start3A_15 = arith.constant 0 : i32
    %dma_start3A_16 = arith.constant 0 : i32
    %dma_start3A_17 = arith.constant 0 : i32
    %dma_start3A_18 = arith.constant 0 : i32
    %dma_start3A_19 = arith.constant 0 : i32
    %dma_start3A_20 = tpu.memref_slice %arg9[%dma_start3A_16, %dma_start3A_18, %dma_start3A_19] : memref<3x128x128xf32, #tpu.memory_space<vmem>> -> memref<1x128x128xf32, #tpu.memory_space<vmem>>
    %dma_start3A_21 = tpu.memref_squeeze %dma_start3A_20 : memref<1x128x128xf32, #tpu.memory_space<vmem>> -> memref<128x128xf32, #tpu.memory_space<vmem>>
    %dma_start3A_22 = arith.constant 0 : i32
    %dma_start3A_23 = tpu.memref_slice %arg7[%dma_start3A_15, %dma_start3A_22] : memref<79x128xi32, #tpu.memory_space<vmem>> -> memref<1x128xi32, #tpu.memory_space<vmem>>
    %dma_start3A_24 = tpu.memref_squeeze %dma_start3A_23 : memref<1x128xi32, #tpu.memory_space<vmem>> -> memref<128xi32, #tpu.memory_space<vmem>>
    %dma_start3A_25 = arith.constant 0 : i32
    %dma_start3A_26 = arith.constant 0 : i32
    %dma_start3A_27 = tpu.memref_slice %arg2[%dma_start3A_25, %dma_start3A_26] : memref<10016x128xf32, #tpu.memory_space<hbm>> -> memref<10016x128xf32, #tpu.memory_space<hbm>>
    %dma_start3A_28 = tpu.memref_slice %arg11[%dma_start3A_17] : memref<3x!tpu.dma_semaphore, #tpu.memory_space<semaphore_mem>> -> memref<1x!tpu.dma_semaphore, #tpu.memory_space<semaphore_mem>>
    %dma_start3A_29 = tpu.memref_squeeze %dma_start3A_28 : memref<1x!tpu.dma_semaphore, #tpu.memory_space<semaphore_mem>> -> memref<!tpu.dma_semaphore, #tpu.memory_space<semaphore_mem>>
    tpu.enqueue_indirect_dma source(%dma_start3A_27 : memref<10016x128xf32, #tpu.memory_space<hbm>>) target(%dma_start3A_21 : memref<128x128xf32, #tpu.memory_space<vmem>>) offsets(%dma_start3A_24 : memref<128xi32, #tpu.memory_space<vmem>>) semaphore(%dma_start3A_29 : memref<!tpu.dma_semaphore, #tpu.memory_space<semaphore_mem>>)
    %scan3A = arith.constant 0 : i32
    %scan3A_30 = arith.constant 0 : i32
    %scan3A_31 = arith.constant 79 : i32
    %scan3A_32 = arith.addi %scan3A_30, %scan3A_31 : i32
    %scan3A_33 = arith.constant 1 : i32
    scf.for %scan3A_77 = %scan3A_30 to %scan3A_32 step %scan3A_33  : i32 {
      %rem3A_78 = arith.constant 3 : i32
      %rem3A_79 = arith.remsi %scan3A_77, %rem3A_78 : i32
      %add3A_80 = arith.constant 1 : i32
      %add3A_81 = arith.addi %scan3A_77, %add3A_80 : i32
      %rem3A_82 = arith.constant 3 : i32
      %rem3A_83 = arith.remsi %add3A_81, %rem3A_82 : i32
      %ge3A = arith.constant 2 : i32
      %ge3A_84 = arith.cmpi sge, %scan3A_77, %ge3A : i32
      %convert_element_type3A = arith.extui %ge3A_84 : i1 to i32
      %cond3A = arith.constant 0 : i32
      %cond3A_85 = arith.cmpi ne, %convert_element_type3A, %cond3A : i32
      scf.if %cond3A_85 {
        %mul3A_141 = arith.constant 10112 : i32
        %mul3A_142 = arith.muli %add3A, %mul3A_141 : i32
        %mul3A_143 = arith.constant 128 : i32
        %mul3A_144 = arith.muli %scan3A_77, %mul3A_143 : i32
        %add3A_145 = arith.addi %mul3A_142, %mul3A_144 : i32
        %dma_wait3A_146 = arith.constant 0 : i32
        %dma_wait3A_147 = arith.constant 0 : i32
        %dma_wait3A_148 = tpu.memref_slice %arg8[%rem3A_83, %dma_wait3A_146, %dma_wait3A_147] : memref<3x128x128xf32, #tpu.memory_space<vmem>> -> memref<1x128x128xf32, #tpu.memory_space<vmem>>
        %dma_wait3A_149 = tpu.memref_squeeze %dma_wait3A_148 : memref<1x128x128xf32, #tpu.memory_space<vmem>> -> memref<128x128xf32, #tpu.memory_space<vmem>>
        %dma_wait3A_150 = arith.constant 0 : i32
        %dma_wait3A_151 = tpu.memref_slice %arg5[%add3A_145, %dma_wait3A_150] : memref<323584x128xf32, #tpu.memory_space<hbm>> -> memref<128x128xf32, #tpu.memory_space<hbm>>
        %dma_wait3A_152 = tpu.memref_slice %arg12[%rem3A_83] : memref<3x!tpu.dma_semaphore, #tpu.memory_space<semaphore_mem>> -> memref<1x!tpu.dma_semaphore, #tpu.memory_space<semaphore_mem>>
        %dma_wait3A_153 = tpu.memref_squeeze %dma_wait3A_152 : memref<1x!tpu.dma_semaphore, #tpu.memory_space<semaphore_mem>> -> memref<!tpu.dma_semaphore, #tpu.memory_space<semaphore_mem>>
        %dma_wait3A_154 = arith.constant 0 : i32
        %dma_wait3A_155 = tpu.memref_slice %arg5[%add3A_145, %dma_wait3A_154] : memref<323584x128xf32, #tpu.memory_space<hbm>> -> memref<128x128xf32, #tpu.memory_space<hbm>>
        %dma_wait3A_156 = arith.constant 0 : i32
        %dma_wait3A_157 = arith.constant 0 : i32
        %dma_wait3A_158 = tpu.memref_slice %arg8[%rem3A_83, %dma_wait3A_156, %dma_wait3A_157] : memref<3x128x128xf32, #tpu.memory_space<vmem>> -> memref<1x128x128xf32, #tpu.memory_space<vmem>>
        %dma_wait3A_159 = tpu.memref_squeeze %dma_wait3A_158 : memref<1x128x128xf32, #tpu.memory_space<vmem>> -> memref<128x128xf32, #tpu.memory_space<vmem>>
        tpu.wait_dma2 semaphore(%dma_wait3A_153 : memref<!tpu.dma_semaphore, #tpu.memory_space<semaphore_mem>>) src(%dma_wait3A_159 : memref<128x128xf32, #tpu.memory_space<vmem>>) dst(%dma_wait3A_155 : memref<128x128xf32, #tpu.memory_space<hbm>>)
      } else {
      }
      %add3A_86 = arith.constant 1 : i32
      %add3A_87 = arith.addi %scan3A_77, %add3A_86 : i32
      %lt3A = arith.constant 79 : i32
      %lt3A_88 = arith.cmpi slt, %add3A_87, %lt3A : i32
      %convert_element_type3A_89 = arith.extui %lt3A_88 : i1 to i32
      %cond3A_90 = arith.constant 0 : i32
      %cond3A_91 = arith.cmpi ne, %convert_element_type3A_89, %cond3A_90 : i32
      scf.if %cond3A_91 {
        %add3A_141 = arith.constant 1 : i32
        %add3A_142 = arith.addi %scan3A_77, %add3A_141 : i32
        %dma_start3A_143 = arith.constant 0 : i32
        %dma_start3A_144 = arith.constant 0 : i32
        %dma_start3A_145 = tpu.memref_slice %arg8[%rem3A_83, %dma_start3A_143, %dma_start3A_144] : memref<3x128x128xf32, #tpu.memory_space<vmem>> -> memref<1x128x128xf32, #tpu.memory_space<vmem>>
        %dma_start3A_146 = tpu.memref_squeeze %dma_start3A_145 : memref<1x128x128xf32, #tpu.memory_space<vmem>> -> memref<128x128xf32, #tpu.memory_space<vmem>>
        %dma_start3A_147 = arith.constant 0 : i32
        %dma_start3A_148 = tpu.memref_slice %arg6[%add3A_142, %dma_start3A_147] : memref<79x128xi32, #tpu.memory_space<vmem>> -> memref<1x128xi32, #tpu.memory_space<vmem>>
        %dma_start3A_149 = tpu.memref_squeeze %dma_start3A_148 : memref<1x128xi32, #tpu.memory_space<vmem>> -> memref<128xi32, #tpu.memory_space<vmem>>
        %dma_start3A_150 = arith.constant 0 : i32
        %dma_start3A_151 = arith.constant 0 : i32
        %dma_start3A_152 = tpu.memref_slice %arg2[%dma_start3A_150, %dma_start3A_151] : memref<10016x128xf32, #tpu.memory_space<hbm>> -> memref<10016x128xf32, #tpu.memory_space<hbm>>
        %dma_start3A_153 = tpu.memref_slice %arg10[%rem3A_83] : memref<3x!tpu.dma_semaphore, #tpu.memory_space<semaphore_mem>> -> memref<1x!tpu.dma_semaphore, #tpu.memory_space<semaphore_mem>>
        %dma_start3A_154 = tpu.memref_squeeze %dma_start3A_153 : memref<1x!tpu.dma_semaphore, #tpu.memory_space<semaphore_mem>> -> memref<!tpu.dma_semaphore, #tpu.memory_space<semaphore_mem>>
        tpu.enqueue_indirect_dma source(%dma_start3A_152 : memref<10016x128xf32, #tpu.memory_space<hbm>>) target(%dma_start3A_146 : memref<128x128xf32, #tpu.memory_space<vmem>>) offsets(%dma_start3A_149 : memref<128xi32, #tpu.memory_space<vmem>>) semaphore(%dma_start3A_154 : memref<!tpu.dma_semaphore, #tpu.memory_space<semaphore_mem>>)
        %add3A_155 = arith.constant 1 : i32
        %add3A_156 = arith.addi %scan3A_77, %add3A_155 : i32
        %dma_start3A_157 = arith.constant 0 : i32
        %dma_start3A_158 = arith.constant 0 : i32
        %dma_start3A_159 = tpu.memref_slice %arg9[%rem3A_83, %dma_start3A_157, %dma_start3A_158] : memref<3x128x128xf32, #tpu.memory_space<vmem>> -> memref<1x128x128xf32, #tpu.memory_space<vmem>>
        %dma_start3A_160 = tpu.memref_squeeze %dma_start3A_159 : memref<1x128x128xf32, #tpu.memory_space<vmem>> -> memref<128x128xf32, #tpu.memory_space<vmem>>
        %dma_start3A_161 = arith.constant 0 : i32
        %dma_start3A_162 = tpu.memref_slice %arg7[%add3A_156, %dma_start3A_161] : memref<79x128xi32, #tpu.memory_space<vmem>> -> memref<1x128xi32, #tpu.memory_space<vmem>>
        %dma_start3A_163 = tpu.memref_squeeze %dma_start3A_162 : memref<1x128xi32, #tpu.memory_space<vmem>> -> memref<128xi32, #tpu.memory_space<vmem>>
        %dma_start3A_164 = arith.constant 0 : i32
        %dma_start3A_165 = arith.constant 0 : i32
        %dma_start3A_166 = tpu.memref_slice %arg2[%dma_start3A_164, %dma_start3A_165] : memref<10016x128xf32, #tpu.memory_space<hbm>> -> memref<10016x128xf32, #tpu.memory_space<hbm>>
        %dma_start3A_167 = tpu.memref_slice %arg11[%rem3A_83] : memref<3x!tpu.dma_semaphore, #tpu.memory_space<semaphore_mem>> -> memref<1x!tpu.dma_semaphore, #tpu.memory_space<semaphore_mem>>
        %dma_start3A_168 = tpu.memref_squeeze %dma_start3A_167 : memref<1x!tpu.dma_semaphore, #tpu.memory_space<semaphore_mem>> -> memref<!tpu.dma_semaphore, #tpu.memory_space<semaphore_mem>>
        tpu.enqueue_indirect_dma source(%dma_start3A_166 : memref<10016x128xf32, #tpu.memory_space<hbm>>) target(%dma_start3A_160 : memref<128x128xf32, #tpu.memory_space<vmem>>) offsets(%dma_start3A_163 : memref<128xi32, #tpu.memory_space<vmem>>) semaphore(%dma_start3A_168 : memref<!tpu.dma_semaphore, #tpu.memory_space<semaphore_mem>>)
      } else {
      }
      %dma_wait3A_92 = arith.constant 0 : i32
      %dma_wait3A_93 = arith.constant 0 : i32
      %dma_wait3A_94 = tpu.memref_slice %arg8[%rem3A_79, %dma_wait3A_92, %dma_wait3A_93] : memref<3x128x128xf32, #tpu.memory_space<vmem>> -> memref<1x128x128xf32, #tpu.memory_space<vmem>>
      %dma_wait3A_95 = tpu.memref_squeeze %dma_wait3A_94 : memref<1x128x128xf32, #tpu.memory_space<vmem>> -> memref<128x128xf32, #tpu.memory_space<vmem>>
      %dma_wait3A_96 = arith.constant 0 : i32
      %dma_wait3A_97 = tpu.memref_slice %arg6[%scan3A_77, %dma_wait3A_96] : memref<79x128xi32, #tpu.memory_space<vmem>> -> memref<1x128xi32, #tpu.memory_space<vmem>>
      %dma_wait3A_98 = tpu.memref_squeeze %dma_wait3A_97 : memref<1x128xi32, #tpu.memory_space<vmem>> -> memref<128xi32, #tpu.memory_space<vmem>>
      %dma_wait3A_99 = arith.constant 0 : i32
      %dma_wait3A_100 = arith.constant 0 : i32
      %dma_wait3A_101 = tpu.memref_slice %arg2[%dma_wait3A_99, %dma_wait3A_100] : memref<10016x128xf32, #tpu.memory_space<hbm>> -> memref<10016x128xf32, #tpu.memory_space<hbm>>
      %dma_wait3A_102 = tpu.memref_slice %arg10[%rem3A_79] : memref<3x!tpu.dma_semaphore, #tpu.memory_space<semaphore_mem>> -> memref<1x!tpu.dma_semaphore, #tpu.memory_space<semaphore_mem>>
      %dma_wait3A_103 = tpu.memref_squeeze %dma_wait3A_102 : memref<1x!tpu.dma_semaphore, #tpu.memory_space<semaphore_mem>> -> memref<!tpu.dma_semaphore, #tpu.memory_space<semaphore_mem>>
      tpu.wait_indirect_dma semaphore(%dma_wait3A_103 : memref<!tpu.dma_semaphore, #tpu.memory_space<semaphore_mem>>) src(%dma_wait3A_101 : memref<10016x128xf32, #tpu.memory_space<hbm>>) dst(%dma_wait3A_95 : memref<128x128xf32, #tpu.memory_space<vmem>>)
      %dma_wait3A_104 = arith.constant 0 : i32
      %dma_wait3A_105 = arith.constant 0 : i32
      %dma_wait3A_106 = tpu.memref_slice %arg9[%rem3A_79, %dma_wait3A_104, %dma_wait3A_105] : memref<3x128x128xf32, #tpu.memory_space<vmem>> -> memref<1x128x128xf32, #tpu.memory_space<vmem>>
      %dma_wait3A_107 = tpu.memref_squeeze %dma_wait3A_106 : memref<1x128x128xf32, #tpu.memory_space<vmem>> -> memref<128x128xf32, #tpu.memory_space<vmem>>
      %dma_wait3A_108 = arith.constant 0 : i32
      %dma_wait3A_109 = tpu.memref_slice %arg7[%scan3A_77, %dma_wait3A_108] : memref<79x128xi32, #tpu.memory_space<vmem>> -> memref<1x128xi32, #tpu.memory_space<vmem>>
      %dma_wait3A_110 = tpu.memref_squeeze %dma_wait3A_109 : memref<1x128xi32, #tpu.memory_space<vmem>> -> memref<128xi32, #tpu.memory_space<vmem>>
      %dma_wait3A_111 = arith.constant 0 : i32
      %dma_wait3A_112 = arith.constant 0 : i32
      %dma_wait3A_113 = tpu.memref_slice %arg2[%dma_wait3A_111, %dma_wait3A_112] : memref<10016x128xf32, #tpu.memory_space<hbm>> -> memref<10016x128xf32, #tpu.memory_space<hbm>>
      %dma_wait3A_114 = tpu.memref_slice %arg11[%rem3A_79] : memref<3x!tpu.dma_semaphore, #tpu.memory_space<semaphore_mem>> -> memref<1x!tpu.dma_semaphore, #tpu.memory_space<semaphore_mem>>
      %dma_wait3A_115 = tpu.memref_squeeze %dma_wait3A_114 : memref<1x!tpu.dma_semaphore, #tpu.memory_space<semaphore_mem>> -> memref<!tpu.dma_semaphore, #tpu.memory_space<semaphore_mem>>
      tpu.wait_indirect_dma semaphore(%dma_wait3A_115 : memref<!tpu.dma_semaphore, #tpu.memory_space<semaphore_mem>>) src(%dma_wait3A_113 : memref<10016x128xf32, #tpu.memory_space<hbm>>) dst(%dma_wait3A_107 : memref<128x128xf32, #tpu.memory_space<vmem>>)
      %scan3A_116 = arith.constant 0 : i32
      %scan3A_117 = arith.constant 0 : i32
      %scan3A_118 = arith.constant 64 : i32
      %scan3A_119 = arith.addi %scan3A_117, %scan3A_118 : i32
      %scan3A_120 = arith.constant 1 : i32
      scf.for %scan3A_141 = %scan3A_117 to %scan3A_119 step %scan3A_120  : i32 {
        %mul3A_142 = arith.constant 2 : i32
        %mul3A_143 = arith.muli %scan3A_141, %mul3A_142 : i32
        %add3A_144 = arith.constant 0 : i32
        %add3A_145 = arith.addi %mul3A_143, %add3A_144 : i32
        %add3A_146 = arith.constant 0 : i32
        %add3A_147 = arith.addi %mul3A_143, %add3A_146 : i32
        %get3A = arith.constant 0 : i32
        %get3A_148 = arith.constant 0 : i32
        %get3A_149 = tpu.memref_slice %arg9[%rem3A_79, %get3A, %get3A_148] : memref<3x128x128xf32, #tpu.memory_space<vmem>> -> memref<1x128x128xf32, #tpu.memory_space<vmem>>
        %get3A_150 = tpu.memref_squeeze %get3A_149 : memref<1x128x128xf32, #tpu.memory_space<vmem>> -> memref<128x128xf32, #tpu.memory_space<vmem>>
        %get3A_151 = arith.index_cast %add3A_147 : i32 to index
        %get3A_152 = arith.constant 0 : index
        %get3A_153 = tpu.vector_load %get3A_150[%get3A_151, %get3A_152] {strides = array<i32>} : memref<128x128xf32, #tpu.memory_space<vmem>>, vector<1x16xf32>,
        %get3A_154 = vector.shape_cast %get3A_153 : vector<1x16xf32> to vector<16xf32>
        %swap3A = arith.constant 0 : i32
        %swap3A_155 = arith.constant 0 : i32
        %swap3A_156 = tpu.memref_slice %arg8[%rem3A_79, %swap3A, %swap3A_155] : memref<3x128x128xf32, #tpu.memory_space<vmem>> -> memref<1x128x128xf32, #tpu.memory_space<vmem>>
        %swap3A_157 = tpu.memref_squeeze %swap3A_156 : memref<1x128x128xf32, #tpu.memory_space<vmem>> -> memref<128x128xf32, #tpu.memory_space<vmem>>
        %swap3A_158 = arith.index_cast %add3A_145 : i32 to index
        %swap3A_159 = arith.constant 0 : index
        %swap3A_160 = tpu.vector_load %swap3A_157[%swap3A_158, %swap3A_159] {strides = array<i32>} : memref<128x128xf32, #tpu.memory_space<vmem>>, vector<1x16xf32>,
        %swap3A_161 = vector.shape_cast %swap3A_160 : vector<1x16xf32> to vector<16xf32>
        %swap3A_162 = vector.shape_cast %get3A_154 : vector<16xf32> to vector<1x16xf32>
        tpu.vector_store %swap3A_157[%swap3A_158, %swap3A_159], %swap3A_162 {add = true, strides = array<i32>} : memref<128x128xf32, #tpu.memory_space<vmem>>, vector<1x16xf32>,
        %add3A_163 = arith.constant 0 : i32
        %add3A_164 = arith.addi %mul3A_143, %add3A_163 : i32
        %add3A_165 = arith.constant 0 : i32
        %add3A_166 = arith.addi %mul3A_143, %add3A_165 : i32
        %get3A_167 = arith.constant 0 : i32
        %get3A_168 = arith.constant 0 : i32
        %get3A_169 = tpu.memref_slice %arg9[%rem3A_79, %get3A_167, %get3A_168] : memref<3x128x128xf32, #tpu.memory_space<vmem>> -> memref<1x128x128xf32, #tpu.memory_space<vmem>>
        %get3A_170 = tpu.memref_squeeze %get3A_169 : memref<1x128x128xf32, #tpu.memory_space<vmem>> -> memref<128x128xf32, #tpu.memory_space<vmem>>
        %get3A_171 = arith.index_cast %add3A_166 : i32 to index
        %get3A_172 = arith.constant 16 : index
        %get3A_173 = tpu.vector_load %get3A_170[%get3A_171, %get3A_172] {strides = array<i32>} : memref<128x128xf32, #tpu.memory_space<vmem>>, vector<1x16xf32>,
        %get3A_174 = vector.shape_cast %get3A_173 : vector<1x16xf32> to vector<16xf32>
        %swap3A_175 = arith.constant 0 : i32
        %swap3A_176 = arith.constant 0 : i32
        %swap3A_177 = tpu.memref_slice %arg8[%rem3A_79, %swap3A_175, %swap3A_176] : memref<3x128x128xf32, #tpu.memory_space<vmem>> -> memref<1x128x128xf32, #tpu.memory_space<vmem>>
        %swap3A_178 = tpu.memref_squeeze %swap3A_177 : memref<1x128x128xf32, #tpu.memory_space<vmem>> -> memref<128x128xf32, #tpu.memory_space<vmem>>
        %swap3A_179 = arith.index_cast %add3A_164 : i32 to index
        %swap3A_180 = arith.constant 16 : index
        %swap3A_181 = tpu.vector_load %swap3A_178[%swap3A_179, %swap3A_180] {strides = array<i32>} : memref<128x128xf32, #tpu.memory_space<vmem>>, vector<1x16xf32>,
        %swap3A_182 = vector.shape_cast %swap3A_181 : vector<1x16xf32> to vector<16xf32>
        %swap3A_183 = vector.shape_cast %get3A_174 : vector<16xf32> to vector<1x16xf32>
        tpu.vector_store %swap3A_178[%swap3A_179, %swap3A_180], %swap3A_183 {add = true, strides = array<i32>} : memref<128x128xf32, #tpu.memory_space<vmem>>, vector<1x16xf32>,
        %add3A_184 = arith.constant 0 : i32
        %add3A_185 = arith.addi %mul3A_143, %add3A_184 : i32
        %add3A_186 = arith.constant 0 : i32
        %add3A_187 = arith.addi %mul3A_143, %add3A_186 : i32
        %get3A_188 = arith.constant 0 : i32
        %get3A_189 = arith.constant 0 : i32
        %get3A_190 = tpu.memref_slice %arg9[%rem3A_79, %get3A_188, %get3A_189] : memref<3x128x128xf32, #tpu.memory_space<vmem>> -> memref<1x128x128xf32, #tpu.memory_space<vmem>>
        %get3A_191 = tpu.memref_squeeze %get3A_190 : memref<1x128x128xf32, #tpu.memory_space<vmem>> -> memref<128x128xf32, #tpu.memory_space<vmem>>
        %get3A_192 = arith.index_cast %add3A_187 : i32 to index
        %get3A_193 = arith.constant 32 : index
        %get3A_194 = tpu.vector_load %get3A_191[%get3A_192, %get3A_193] {strides = array<i32>} : memref<128x128xf32, #tpu.memory_space<vmem>>, vector<1x16xf32>,
        %get3A_195 = vector.shape_cast %get3A_194 : vector<1x16xf32> to vector<16xf32>
        %swap3A_196 = arith.constant 0 : i32
        %swap3A_197 = arith.constant 0 : i32
        %swap3A_198 = tpu.memref_slice %arg8[%rem3A_79, %swap3A_196, %swap3A_197] : memref<3x128x128xf32, #tpu.memory_space<vmem>> -> memref<1x128x128xf32, #tpu.memory_space<vmem>>
        %swap3A_199 = tpu.memref_squeeze %swap3A_198 : memref<1x128x128xf32, #tpu.memory_space<vmem>> -> memref<128x128xf32, #tpu.memory_space<vmem>>
        %swap3A_200 = arith.index_cast %add3A_185 : i32 to index
        %swap3A_201 = arith.constant 32 : index
        %swap3A_202 = tpu.vector_load %swap3A_199[%swap3A_200, %swap3A_201] {strides = array<i32>} : memref<128x128xf32, #tpu.memory_space<vmem>>, vector<1x16xf32>,
        %swap3A_203 = vector.shape_cast %swap3A_202 : vector<1x16xf32> to vector<16xf32>
        %swap3A_204 = vector.shape_cast %get3A_195 : vector<16xf32> to vector<1x16xf32>
        tpu.vector_store %swap3A_199[%swap3A_200, %swap3A_201], %swap3A_204 {add = true, strides = array<i32>} : memref<128x128xf32, #tpu.memory_space<vmem>>, vector<1x16xf32>,
        %add3A_205 = arith.constant 0 : i32
        %add3A_206 = arith.addi %mul3A_143, %add3A_205 : i32
        %add3A_207 = arith.constant 0 : i32
        %add3A_208 = arith.addi %mul3A_143, %add3A_207 : i32
        %get3A_209 = arith.constant 0 : i32
        %get3A_210 = arith.constant 0 : i32
        %get3A_211 = tpu.memref_slice %arg9[%rem3A_79, %get3A_209, %get3A_210] : memref<3x128x128xf32, #tpu.memory_space<vmem>> -> memref<1x128x128xf32, #tpu.memory_space<vmem>>
        %get3A_212 = tpu.memref_squeeze %get3A_211 : memref<1x128x128xf32, #tpu.memory_space<vmem>> -> memref<128x128xf32, #tpu.memory_space<vmem>>
        %get3A_213 = arith.index_cast %add3A_208 : i32 to index
        %get3A_214 = arith.constant 48 : index
        %get3A_215 = tpu.vector_load %get3A_212[%get3A_213, %get3A_214] {strides = array<i32>} : memref<128x128xf32, #tpu.memory_space<vmem>>, vector<1x16xf32>,
        %get3A_216 = vector.shape_cast %get3A_215 : vector<1x16xf32> to vector<16xf32>
        %swap3A_217 = arith.constant 0 : i32
        %swap3A_218 = arith.constant 0 : i32
        %swap3A_219 = tpu.memref_slice %arg8[%rem3A_79, %swap3A_217, %swap3A_218] : memref<3x128x128xf32, #tpu.memory_space<vmem>> -> memref<1x128x128xf32, #tpu.memory_space<vmem>>
        %swap3A_220 = tpu.memref_squeeze %swap3A_219 : memref<1x128x128xf32, #tpu.memory_space<vmem>> -> memref<128x128xf32, #tpu.memory_space<vmem>>
        %swap3A_221 = arith.index_cast %add3A_206 : i32 to index
        %swap3A_222 = arith.constant 48 : index
        %swap3A_223 = tpu.vector_load %swap3A_220[%swap3A_221, %swap3A_222] {strides = array<i32>} : memref<128x128xf32, #tpu.memory_space<vmem>>, vector<1x16xf32>,
        %swap3A_224 = vector.shape_cast %swap3A_223 : vector<1x16xf32> to vector<16xf32>
        %swap3A_225 = vector.shape_cast %get3A_216 : vector<16xf32> to vector<1x16xf32>
        tpu.vector_store %swap3A_220[%swap3A_221, %swap3A_222], %swap3A_225 {add = true, strides = array<i32>} : memref<128x128xf32, #tpu.memory_space<vmem>>, vector<1x16xf32>,
        %add3A_226 = arith.constant 0 : i32
        %add3A_227 = arith.addi %mul3A_143, %add3A_226 : i32
        %add3A_228 = arith.constant 0 : i32
        %add3A_229 = arith.addi %mul3A_143, %add3A_228 : i32
        %get3A_230 = arith.constant 0 : i32
        %get3A_231 = arith.constant 0 : i32
        %get3A_232 = tpu.memref_slice %arg9[%rem3A_79, %get3A_230, %get3A_231] : memref<3x128x128xf32, #tpu.memory_space<vmem>> -> memref<1x128x128xf32, #tpu.memory_space<vmem>>
        %get3A_233 = tpu.memref_squeeze %get3A_232 : memref<1x128x128xf32, #tpu.memory_space<vmem>> -> memref<128x128xf32, #tpu.memory_space<vmem>>
        %get3A_234 = arith.index_cast %add3A_229 : i32 to index
        %get3A_235 = arith.constant 64 : index
        %get3A_236 = tpu.vector_load %get3A_233[%get3A_234, %get3A_235] {strides = array<i32>} : memref<128x128xf32, #tpu.memory_space<vmem>>, vector<1x16xf32>,
        %get3A_237 = vector.shape_cast %get3A_236 : vector<1x16xf32> to vector<16xf32>
        %swap3A_238 = arith.constant 0 : i32
        %swap3A_239 = arith.constant 0 : i32
        %swap3A_240 = tpu.memref_slice %arg8[%rem3A_79, %swap3A_238, %swap3A_239] : memref<3x128x128xf32, #tpu.memory_space<vmem>> -> memref<1x128x128xf32, #tpu.memory_space<vmem>>
        %swap3A_241 = tpu.memref_squeeze %swap3A_240 : memref<1x128x128xf32, #tpu.memory_space<vmem>> -> memref<128x128xf32, #tpu.memory_space<vmem>>
        %swap3A_242 = arith.index_cast %add3A_227 : i32 to index
        %swap3A_243 = arith.constant 64 : index
        %swap3A_244 = tpu.vector_load %swap3A_241[%swap3A_242, %swap3A_243] {strides = array<i32>} : memref<128x128xf32, #tpu.memory_space<vmem>>, vector<1x16xf32>,
        %swap3A_245 = vector.shape_cast %swap3A_244 : vector<1x16xf32> to vector<16xf32>
        %swap3A_246 = vector.shape_cast %get3A_237 : vector<16xf32> to vector<1x16xf32>
        tpu.vector_store %swap3A_241[%swap3A_242, %swap3A_243], %swap3A_246 {add = true, strides = array<i32>} : memref<128x128xf32, #tpu.memory_space<vmem>>, vector<1x16xf32>,
        %add3A_247 = arith.constant 0 : i32
        %add3A_248 = arith.addi %mul3A_143, %add3A_247 : i32
        %add3A_249 = arith.constant 0 : i32
        %add3A_250 = arith.addi %mul3A_143, %add3A_249 : i32
        %get3A_251 = arith.constant 0 : i32
        %get3A_252 = arith.constant 0 : i32
        %get3A_253 = tpu.memref_slice %arg9[%rem3A_79, %get3A_251, %get3A_252] : memref<3x128x128xf32, #tpu.memory_space<vmem>> -> memref<1x128x128xf32, #tpu.memory_space<vmem>>
        %get3A_254 = tpu.memref_squeeze %get3A_253 : memref<1x128x128xf32, #tpu.memory_space<vmem>> -> memref<128x128xf32, #tpu.memory_space<vmem>>
        %get3A_255 = arith.index_cast %add3A_250 : i32 to index
        %get3A_256 = arith.constant 80 : index
        %get3A_257 = tpu.vector_load %get3A_254[%get3A_255, %get3A_256] {strides = array<i32>} : memref<128x128xf32, #tpu.memory_space<vmem>>, vector<1x16xf32>,
        %get3A_258 = vector.shape_cast %get3A_257 : vector<1x16xf32> to vector<16xf32>
        %swap3A_259 = arith.constant 0 : i32
        %swap3A_260 = arith.constant 0 : i32
        %swap3A_261 = tpu.memref_slice %arg8[%rem3A_79, %swap3A_259, %swap3A_260] : memref<3x128x128xf32, #tpu.memory_space<vmem>> -> memref<1x128x128xf32, #tpu.memory_space<vmem>>
        %swap3A_262 = tpu.memref_squeeze %swap3A_261 : memref<1x128x128xf32, #tpu.memory_space<vmem>> -> memref<128x128xf32, #tpu.memory_space<vmem>>
        %swap3A_263 = arith.index_cast %add3A_248 : i32 to index
        %swap3A_264 = arith.constant 80 : index
        %swap3A_265 = tpu.vector_load %swap3A_262[%swap3A_263, %swap3A_264] {strides = array<i32>} : memref<128x128xf32, #tpu.memory_space<vmem>>, vector<1x16xf32>,
        %swap3A_266 = vector.shape_cast %swap3A_265 : vector<1x16xf32> to vector<16xf32>
        %swap3A_267 = vector.shape_cast %get3A_258 : vector<16xf32> to vector<1x16xf32>
        tpu.vector_store %swap3A_262[%swap3A_263, %swap3A_264], %swap3A_267 {add = true, strides = array<i32>} : memref<128x128xf32, #tpu.memory_space<vmem>>, vector<1x16xf32>,
        %add3A_268 = arith.constant 0 : i32
        %add3A_269 = arith.addi %mul3A_143, %add3A_268 : i32
        %add3A_270 = arith.constant 0 : i32
        %add3A_271 = arith.addi %mul3A_143, %add3A_270 : i32
        %get3A_272 = arith.constant 0 : i32
        %get3A_273 = arith.constant 0 : i32
        %get3A_274 = tpu.memref_slice %arg9[%rem3A_79, %get3A_272, %get3A_273] : memref<3x128x128xf32, #tpu.memory_space<vmem>> -> memref<1x128x128xf32, #tpu.memory_space<vmem>>
        %get3A_275 = tpu.memref_squeeze %get3A_274 : memref<1x128x128xf32, #tpu.memory_space<vmem>> -> memref<128x128xf32, #tpu.memory_space<vmem>>
        %get3A_276 = arith.index_cast %add3A_271 : i32 to index
        %get3A_277 = arith.constant 96 : index
        %get3A_278 = tpu.vector_load %get3A_275[%get3A_276, %get3A_277] {strides = array<i32>} : memref<128x128xf32, #tpu.memory_space<vmem>>, vector<1x16xf32>,
        %get3A_279 = vector.shape_cast %get3A_278 : vector<1x16xf32> to vector<16xf32>
        %swap3A_280 = arith.constant 0 : i32
        %swap3A_281 = arith.constant 0 : i32
        %swap3A_282 = tpu.memref_slice %arg8[%rem3A_79, %swap3A_280, %swap3A_281] : memref<3x128x128xf32, #tpu.memory_space<vmem>> -> memref<1x128x128xf32, #tpu.memory_space<vmem>>
        %swap3A_283 = tpu.memref_squeeze %swap3A_282 : memref<1x128x128xf32, #tpu.memory_space<vmem>> -> memref<128x128xf32, #tpu.memory_space<vmem>>
        %swap3A_284 = arith.index_cast %add3A_269 : i32 to index
        %swap3A_285 = arith.constant 96 : index
        %swap3A_286 = tpu.vector_load %swap3A_283[%swap3A_284, %swap3A_285] {strides = array<i32>} : memref<128x128xf32, #tpu.memory_space<vmem>>, vector<1x16xf32>,
        %swap3A_287 = vector.shape_cast %swap3A_286 : vector<1x16xf32> to vector<16xf32>
        %swap3A_288 = vector.shape_cast %get3A_279 : vector<16xf32> to vector<1x16xf32>
        tpu.vector_store %swap3A_283[%swap3A_284, %swap3A_285], %swap3A_288 {add = true, strides = array<i32>} : memref<128x128xf32, #tpu.memory_space<vmem>>, vector<1x16xf32>,
        %add3A_289 = arith.constant 0 : i32
        %add3A_290 = arith.addi %mul3A_143, %add3A_289 : i32
        %add3A_291 = arith.constant 0 : i32
        %add3A_292 = arith.addi %mul3A_143, %add3A_291 : i32
        %get3A_293 = arith.constant 0 : i32
        %get3A_294 = arith.constant 0 : i32
        %get3A_295 = tpu.memref_slice %arg9[%rem3A_79, %get3A_293, %get3A_294] : memref<3x128x128xf32, #tpu.memory_space<vmem>> -> memref<1x128x128xf32, #tpu.memory_space<vmem>>
        %get3A_296 = tpu.memref_squeeze %get3A_295 : memref<1x128x128xf32, #tpu.memory_space<vmem>> -> memref<128x128xf32, #tpu.memory_space<vmem>>
        %get3A_297 = arith.index_cast %add3A_292 : i32 to index
        %get3A_298 = arith.constant 112 : index
        %get3A_299 = tpu.vector_load %get3A_296[%get3A_297, %get3A_298] {strides = array<i32>} : memref<128x128xf32, #tpu.memory_space<vmem>>, vector<1x16xf32>,
        %get3A_300 = vector.shape_cast %get3A_299 : vector<1x16xf32> to vector<16xf32>
        %swap3A_301 = arith.constant 0 : i32
        %swap3A_302 = arith.constant 0 : i32
        %swap3A_303 = tpu.memref_slice %arg8[%rem3A_79, %swap3A_301, %swap3A_302] : memref<3x128x128xf32, #tpu.memory_space<vmem>> -> memref<1x128x128xf32, #tpu.memory_space<vmem>>
        %swap3A_304 = tpu.memref_squeeze %swap3A_303 : memref<1x128x128xf32, #tpu.memory_space<vmem>> -> memref<128x128xf32, #tpu.memory_space<vmem>>
        %swap3A_305 = arith.index_cast %add3A_290 : i32 to index
        %swap3A_306 = arith.constant 112 : index
        %swap3A_307 = tpu.vector_load %swap3A_304[%swap3A_305, %swap3A_306] {strides = array<i32>} : memref<128x128xf32, #tpu.memory_space<vmem>>, vector<1x16xf32>,
        %swap3A_308 = vector.shape_cast %swap3A_307 : vector<1x16xf32> to vector<16xf32>
        %swap3A_309 = vector.shape_cast %get3A_300 : vector<16xf32> to vector<1x16xf32>
        tpu.vector_store %swap3A_304[%swap3A_305, %swap3A_306], %swap3A_309 {add = true, strides = array<i32>} : memref<128x128xf32, #tpu.memory_space<vmem>>, vector<1x16xf32>,
        %add3A_310 = arith.constant 1 : i32
        %add3A_311 = arith.addi %mul3A_143, %add3A_310 : i32
        %add3A_312 = arith.constant 1 : i32
        %add3A_313 = arith.addi %mul3A_143, %add3A_312 : i32
        %get3A_314 = arith.constant 0 : i32
        %get3A_315 = arith.constant 0 : i32
        %get3A_316 = tpu.memref_slice %arg9[%rem3A_79, %get3A_314, %get3A_315] : memref<3x128x128xf32, #tpu.memory_space<vmem>> -> memref<1x128x128xf32, #tpu.memory_space<vmem>>
        %get3A_317 = tpu.memref_squeeze %get3A_316 : memref<1x128x128xf32, #tpu.memory_space<vmem>> -> memref<128x128xf32, #tpu.memory_space<vmem>>
        %get3A_318 = arith.index_cast %add3A_313 : i32 to index
        %get3A_319 = arith.constant 0 : index
        %get3A_320 = tpu.vector_load %get3A_317[%get3A_318, %get3A_319] {strides = array<i32>} : memref<128x128xf32, #tpu.memory_space<vmem>>, vector<1x16xf32>,
        %get3A_321 = vector.shape_cast %get3A_320 : vector<1x16xf32> to vector<16xf32>
        %swap3A_322 = arith.constant 0 : i32
        %swap3A_323 = arith.constant 0 : i32
        %swap3A_324 = tpu.memref_slice %arg8[%rem3A_79, %swap3A_322, %swap3A_323] : memref<3x128x128xf32, #tpu.memory_space<vmem>> -> memref<1x128x128xf32, #tpu.memory_space<vmem>>
        %swap3A_325 = tpu.memref_squeeze %swap3A_324 : memref<1x128x128xf32, #tpu.memory_space<vmem>> -> memref<128x128xf32, #tpu.memory_space<vmem>>
        %swap3A_326 = arith.index_cast %add3A_311 : i32 to index
        %swap3A_327 = arith.constant 0 : index
        %swap3A_328 = tpu.vector_load %swap3A_325[%swap3A_326, %swap3A_327] {strides = array<i32>} : memref<128x128xf32, #tpu.memory_space<vmem>>, vector<1x16xf32>,
        %swap3A_329 = vector.shape_cast %swap3A_328 : vector<1x16xf32> to vector<16xf32>
        %swap3A_330 = vector.shape_cast %get3A_321 : vector<16xf32> to vector<1x16xf32>
        tpu.vector_store %swap3A_325[%swap3A_326, %swap3A_327], %swap3A_330 {add = true, strides = array<i32>} : memref<128x128xf32, #tpu.memory_space<vmem>>, vector<1x16xf32>,
        %add3A_331 = arith.constant 1 : i32
        %add3A_332 = arith.addi %mul3A_143, %add3A_331 : i32
        %add3A_333 = arith.constant 1 : i32
        %add3A_334 = arith.addi %mul3A_143, %add3A_333 : i32
        %get3A_335 = arith.constant 0 : i32
        %get3A_336 = arith.constant 0 : i32
        %get3A_337 = tpu.memref_slice %arg9[%rem3A_79, %get3A_335, %get3A_336] : memref<3x128x128xf32, #tpu.memory_space<vmem>> -> memref<1x128x128xf32, #tpu.memory_space<vmem>>
        %get3A_338 = tpu.memref_squeeze %get3A_337 : memref<1x128x128xf32, #tpu.memory_space<vmem>> -> memref<128x128xf32, #tpu.memory_space<vmem>>
        %get3A_339 = arith.index_cast %add3A_334 : i32 to index
        %get3A_340 = arith.constant 16 : index
        %get3A_341 = tpu.vector_load %get3A_338[%get3A_339, %get3A_340] {strides = array<i32>} : memref<128x128xf32, #tpu.memory_space<vmem>>, vector<1x16xf32>,
        %get3A_342 = vector.shape_cast %get3A_341 : vector<1x16xf32> to vector<16xf32>
        %swap3A_343 = arith.constant 0 : i32
        %swap3A_344 = arith.constant 0 : i32
        %swap3A_345 = tpu.memref_slice %arg8[%rem3A_79, %swap3A_343, %swap3A_344] : memref<3x128x128xf32, #tpu.memory_space<vmem>> -> memref<1x128x128xf32, #tpu.memory_space<vmem>>
        %swap3A_346 = tpu.memref_squeeze %swap3A_345 : memref<1x128x128xf32, #tpu.memory_space<vmem>> -> memref<128x128xf32, #tpu.memory_space<vmem>>
        %swap3A_347 = arith.index_cast %add3A_332 : i32 to index
        %swap3A_348 = arith.constant 16 : index
        %swap3A_349 = tpu.vector_load %swap3A_346[%swap3A_347, %swap3A_348] {strides = array<i32>} : memref<128x128xf32, #tpu.memory_space<vmem>>, vector<1x16xf32>,
        %swap3A_350 = vector.shape_cast %swap3A_349 : vector<1x16xf32> to vector<16xf32>
        %swap3A_351 = vector.shape_cast %get3A_342 : vector<16xf32> to vector<1x16xf32>
        tpu.vector_store %swap3A_346[%swap3A_347, %swap3A_348], %swap3A_351 {add = true, strides = array<i32>} : memref<128x128xf32, #tpu.memory_space<vmem>>, vector<1x16xf32>,
        %add3A_352 = arith.constant 1 : i32
        %add3A_353 = arith.addi %mul3A_143, %add3A_352 : i32
        %add3A_354 = arith.constant 1 : i32
        %add3A_355 = arith.addi %mul3A_143, %add3A_354 : i32
        %get3A_356 = arith.constant 0 : i32
        %get3A_357 = arith.constant 0 : i32
        %get3A_358 = tpu.memref_slice %arg9[%rem3A_79, %get3A_356, %get3A_357] : memref<3x128x128xf32, #tpu.memory_space<vmem>> -> memref<1x128x128xf32, #tpu.memory_space<vmem>>
        %get3A_359 = tpu.memref_squeeze %get3A_358 : memref<1x128x128xf32, #tpu.memory_space<vmem>> -> memref<128x128xf32, #tpu.memory_space<vmem>>
        %get3A_360 = arith.index_cast %add3A_355 : i32 to index
        %get3A_361 = arith.constant 32 : index
        %get3A_362 = tpu.vector_load %get3A_359[%get3A_360, %get3A_361] {strides = array<i32>} : memref<128x128xf32, #tpu.memory_space<vmem>>, vector<1x16xf32>,
        %get3A_363 = vector.shape_cast %get3A_362 : vector<1x16xf32> to vector<16xf32>
        %swap3A_364 = arith.constant 0 : i32
        %swap3A_365 = arith.constant 0 : i32
        %swap3A_366 = tpu.memref_slice %arg8[%rem3A_79, %swap3A_364, %swap3A_365] : memref<3x128x128xf32, #tpu.memory_space<vmem>> -> memref<1x128x128xf32, #tpu.memory_space<vmem>>
        %swap3A_367 = tpu.memref_squeeze %swap3A_366 : memref<1x128x128xf32, #tpu.memory_space<vmem>> -> memref<128x128xf32, #tpu.memory_space<vmem>>
        %swap3A_368 = arith.index_cast %add3A_353 : i32 to index
        %swap3A_369 = arith.constant 32 : index
        %swap3A_370 = tpu.vector_load %swap3A_367[%swap3A_368, %swap3A_369] {strides = array<i32>} : memref<128x128xf32, #tpu.memory_space<vmem>>, vector<1x16xf32>,
        %swap3A_371 = vector.shape_cast %swap3A_370 : vector<1x16xf32> to vector<16xf32>
        %swap3A_372 = vector.shape_cast %get3A_363 : vector<16xf32> to vector<1x16xf32>
        tpu.vector_store %swap3A_367[%swap3A_368, %swap3A_369], %swap3A_372 {add = true, strides = array<i32>} : memref<128x128xf32, #tpu.memory_space<vmem>>, vector<1x16xf32>,
        %add3A_373 = arith.constant 1 : i32
        %add3A_374 = arith.addi %mul3A_143, %add3A_373 : i32
        %add3A_375 = arith.constant 1 : i32
        %add3A_376 = arith.addi %mul3A_143, %add3A_375 : i32
        %get3A_377 = arith.constant 0 : i32
        %get3A_378 = arith.constant 0 : i32
        %get3A_379 = tpu.memref_slice %arg9[%rem3A_79, %get3A_377, %get3A_378] : memref<3x128x128xf32, #tpu.memory_space<vmem>> -> memref<1x128x128xf32, #tpu.memory_space<vmem>>
        %get3A_380 = tpu.memref_squeeze %get3A_379 : memref<1x128x128xf32, #tpu.memory_space<vmem>> -> memref<128x128xf32, #tpu.memory_space<vmem>>
        %get3A_381 = arith.index_cast %add3A_376 : i32 to index
        %get3A_382 = arith.constant 48 : index
        %get3A_383 = tpu.vector_load %get3A_380[%get3A_381, %get3A_382] {strides = array<i32>} : memref<128x128xf32, #tpu.memory_space<vmem>>, vector<1x16xf32>,
        %get3A_384 = vector.shape_cast %get3A_383 : vector<1x16xf32> to vector<16xf32>
        %swap3A_385 = arith.constant 0 : i32
        %swap3A_386 = arith.constant 0 : i32
        %swap3A_387 = tpu.memref_slice %arg8[%rem3A_79, %swap3A_385, %swap3A_386] : memref<3x128x128xf32, #tpu.memory_space<vmem>> -> memref<1x128x128xf32, #tpu.memory_space<vmem>>
        %swap3A_388 = tpu.memref_squeeze %swap3A_387 : memref<1x128x128xf32, #tpu.memory_space<vmem>> -> memref<128x128xf32, #tpu.memory_space<vmem>>
        %swap3A_389 = arith.index_cast %add3A_374 : i32 to index
        %swap3A_390 = arith.constant 48 : index
        %swap3A_391 = tpu.vector_load %swap3A_388[%swap3A_389, %swap3A_390] {strides = array<i32>} : memref<128x128xf32, #tpu.memory_space<vmem>>, vector<1x16xf32>,
        %swap3A_392 = vector.shape_cast %swap3A_391 : vector<1x16xf32> to vector<16xf32>
        %swap3A_393 = vector.shape_cast %get3A_384 : vector<16xf32> to vector<1x16xf32>
        tpu.vector_store %swap3A_388[%swap3A_389, %swap3A_390], %swap3A_393 {add = true, strides = array<i32>} : memref<128x128xf32, #tpu.memory_space<vmem>>, vector<1x16xf32>,
        %add3A_394 = arith.constant 1 : i32
        %add3A_395 = arith.addi %mul3A_143, %add3A_394 : i32
        %add3A_396 = arith.constant 1 : i32
        %add3A_397 = arith.addi %mul3A_143, %add3A_396 : i32
        %get3A_398 = arith.constant 0 : i32
        %get3A_399 = arith.constant 0 : i32
        %get3A_400 = tpu.memref_slice %arg9[%rem3A_79, %get3A_398, %get3A_399] : memref<3x128x128xf32, #tpu.memory_space<vmem>> -> memref<1x128x128xf32, #tpu.memory_space<vmem>>
        %get3A_401 = tpu.memref_squeeze %get3A_400 : memref<1x128x128xf32, #tpu.memory_space<vmem>> -> memref<128x128xf32, #tpu.memory_space<vmem>>
        %get3A_402 = arith.index_cast %add3A_397 : i32 to index
        %get3A_403 = arith.constant 64 : index
        %get3A_404 = tpu.vector_load %get3A_401[%get3A_402, %get3A_403] {strides = array<i32>} : memref<128x128xf32, #tpu.memory_space<vmem>>, vector<1x16xf32>,
        %get3A_405 = vector.shape_cast %get3A_404 : vector<1x16xf32> to vector<16xf32>
        %swap3A_406 = arith.constant 0 : i32
        %swap3A_407 = arith.constant 0 : i32
        %swap3A_408 = tpu.memref_slice %arg8[%rem3A_79, %swap3A_406, %swap3A_407] : memref<3x128x128xf32, #tpu.memory_space<vmem>> -> memref<1x128x128xf32, #tpu.memory_space<vmem>>
        %swap3A_409 = tpu.memref_squeeze %swap3A_408 : memref<1x128x128xf32, #tpu.memory_space<vmem>> -> memref<128x128xf32, #tpu.memory_space<vmem>>
        %swap3A_410 = arith.index_cast %add3A_395 : i32 to index
        %swap3A_411 = arith.constant 64 : index
        %swap3A_412 = tpu.vector_load %swap3A_409[%swap3A_410, %swap3A_411] {strides = array<i32>} : memref<128x128xf32, #tpu.memory_space<vmem>>, vector<1x16xf32>,
        %swap3A_413 = vector.shape_cast %swap3A_412 : vector<1x16xf32> to vector<16xf32>
        %swap3A_414 = vector.shape_cast %get3A_405 : vector<16xf32> to vector<1x16xf32>
        tpu.vector_store %swap3A_409[%swap3A_410, %swap3A_411], %swap3A_414 {add = true, strides = array<i32>} : memref<128x128xf32, #tpu.memory_space<vmem>>, vector<1x16xf32>,
        %add3A_415 = arith.constant 1 : i32
        %add3A_416 = arith.addi %mul3A_143, %add3A_415 : i32
        %add3A_417 = arith.constant 1 : i32
        %add3A_418 = arith.addi %mul3A_143, %add3A_417 : i32
        %get3A_419 = arith.constant 0 : i32
        %get3A_420 = arith.constant 0 : i32
        %get3A_421 = tpu.memref_slice %arg9[%rem3A_79, %get3A_419, %get3A_420] : memref<3x128x128xf32, #tpu.memory_space<vmem>> -> memref<1x128x128xf32, #tpu.memory_space<vmem>>
        %get3A_422 = tpu.memref_squeeze %get3A_421 : memref<1x128x128xf32, #tpu.memory_space<vmem>> -> memref<128x128xf32, #tpu.memory_space<vmem>>
        %get3A_423 = arith.index_cast %add3A_418 : i32 to index
        %get3A_424 = arith.constant 80 : index
        %get3A_425 = tpu.vector_load %get3A_422[%get3A_423, %get3A_424] {strides = array<i32>} : memref<128x128xf32, #tpu.memory_space<vmem>>, vector<1x16xf32>,
        %get3A_426 = vector.shape_cast %get3A_425 : vector<1x16xf32> to vector<16xf32>
        %swap3A_427 = arith.constant 0 : i32
        %swap3A_428 = arith.constant 0 : i32
        %swap3A_429 = tpu.memref_slice %arg8[%rem3A_79, %swap3A_427, %swap3A_428] : memref<3x128x128xf32, #tpu.memory_space<vmem>> -> memref<1x128x128xf32, #tpu.memory_space<vmem>>
        %swap3A_430 = tpu.memref_squeeze %swap3A_429 : memref<1x128x128xf32, #tpu.memory_space<vmem>> -> memref<128x128xf32, #tpu.memory_space<vmem>>
        %swap3A_431 = arith.index_cast %add3A_416 : i32 to index
        %swap3A_432 = arith.constant 80 : index
        %swap3A_433 = tpu.vector_load %swap3A_430[%swap3A_431, %swap3A_432] {strides = array<i32>} : memref<128x128xf32, #tpu.memory_space<vmem>>, vector<1x16xf32>,
        %swap3A_434 = vector.shape_cast %swap3A_433 : vector<1x16xf32> to vector<16xf32>
        %swap3A_435 = vector.shape_cast %get3A_426 : vector<16xf32> to vector<1x16xf32>
        tpu.vector_store %swap3A_430[%swap3A_431, %swap3A_432], %swap3A_435 {add = true, strides = array<i32>} : memref<128x128xf32, #tpu.memory_space<vmem>>, vector<1x16xf32>,
        %add3A_436 = arith.constant 1 : i32
        %add3A_437 = arith.addi %mul3A_143, %add3A_436 : i32
        %add3A_438 = arith.constant 1 : i32
        %add3A_439 = arith.addi %mul3A_143, %add3A_438 : i32
        %get3A_440 = arith.constant 0 : i32
        %get3A_441 = arith.constant 0 : i32
        %get3A_442 = tpu.memref_slice %arg9[%rem3A_79, %get3A_440, %get3A_441] : memref<3x128x128xf32, #tpu.memory_space<vmem>> -> memref<1x128x128xf32, #tpu.memory_space<vmem>>
        %get3A_443 = tpu.memref_squeeze %get3A_442 : memref<1x128x128xf32, #tpu.memory_space<vmem>> -> memref<128x128xf32, #tpu.memory_space<vmem>>
        %get3A_444 = arith.index_cast %add3A_439 : i32 to index
        %get3A_445 = arith.constant 96 : index
        %get3A_446 = tpu.vector_load %get3A_443[%get3A_444, %get3A_445] {strides = array<i32>} : memref<128x128xf32, #tpu.memory_space<vmem>>, vector<1x16xf32>,
        %get3A_447 = vector.shape_cast %get3A_446 : vector<1x16xf32> to vector<16xf32>
        %swap3A_448 = arith.constant 0 : i32
        %swap3A_449 = arith.constant 0 : i32
        %swap3A_450 = tpu.memref_slice %arg8[%rem3A_79, %swap3A_448, %swap3A_449] : memref<3x128x128xf32, #tpu.memory_space<vmem>> -> memref<1x128x128xf32, #tpu.memory_space<vmem>>
        %swap3A_451 = tpu.memref_squeeze %swap3A_450 : memref<1x128x128xf32, #tpu.memory_space<vmem>> -> memref<128x128xf32, #tpu.memory_space<vmem>>
        %swap3A_452 = arith.index_cast %add3A_437 : i32 to index
        %swap3A_453 = arith.constant 96 : index
        %swap3A_454 = tpu.vector_load %swap3A_451[%swap3A_452, %swap3A_453] {strides = array<i32>} : memref<128x128xf32, #tpu.memory_space<vmem>>, vector<1x16xf32>,
        %swap3A_455 = vector.shape_cast %swap3A_454 : vector<1x16xf32> to vector<16xf32>
        %swap3A_456 = vector.shape_cast %get3A_447 : vector<16xf32> to vector<1x16xf32>
        tpu.vector_store %swap3A_451[%swap3A_452, %swap3A_453], %swap3A_456 {add = true, strides = array<i32>} : memref<128x128xf32, #tpu.memory_space<vmem>>, vector<1x16xf32>,
        %add3A_457 = arith.constant 1 : i32
        %add3A_458 = arith.addi %mul3A_143, %add3A_457 : i32
        %add3A_459 = arith.constant 1 : i32
        %add3A_460 = arith.addi %mul3A_143, %add3A_459 : i32
        %get3A_461 = arith.constant 0 : i32
        %get3A_462 = arith.constant 0 : i32
        %get3A_463 = tpu.memref_slice %arg9[%rem3A_79, %get3A_461, %get3A_462] : memref<3x128x128xf32, #tpu.memory_space<vmem>> -> memref<1x128x128xf32, #tpu.memory_space<vmem>>
        %get3A_464 = tpu.memref_squeeze %get3A_463 : memref<1x128x128xf32, #tpu.memory_space<vmem>> -> memref<128x128xf32, #tpu.memory_space<vmem>>
        %get3A_465 = arith.index_cast %add3A_460 : i32 to index
        %get3A_466 = arith.constant 112 : index
        %get3A_467 = tpu.vector_load %get3A_464[%get3A_465, %get3A_466] {strides = array<i32>} : memref<128x128xf32, #tpu.memory_space<vmem>>, vector<1x16xf32>,
        %get3A_468 = vector.shape_cast %get3A_467 : vector<1x16xf32> to vector<16xf32>
        %swap3A_469 = arith.constant 0 : i32
        %swap3A_470 = arith.constant 0 : i32
        %swap3A_471 = tpu.memref_slice %arg8[%rem3A_79, %swap3A_469, %swap3A_470] : memref<3x128x128xf32, #tpu.memory_space<vmem>> -> memref<1x128x128xf32, #tpu.memory_space<vmem>>
        %swap3A_472 = tpu.memref_squeeze %swap3A_471 : memref<1x128x128xf32, #tpu.memory_space<vmem>> -> memref<128x128xf32, #tpu.memory_space<vmem>>
        %swap3A_473 = arith.index_cast %add3A_458 : i32 to index
        %swap3A_474 = arith.constant 112 : index
        %swap3A_475 = tpu.vector_load %swap3A_472[%swap3A_473, %swap3A_474] {strides = array<i32>} : memref<128x128xf32, #tpu.memory_space<vmem>>, vector<1x16xf32>,
        %swap3A_476 = vector.shape_cast %swap3A_475 : vector<1x16xf32> to vector<16xf32>
        %swap3A_477 = vector.shape_cast %get3A_468 : vector<16xf32> to vector<1x16xf32>
        tpu.vector_store %swap3A_472[%swap3A_473, %swap3A_474], %swap3A_477 {add = true, strides = array<i32>} : memref<128x128xf32, #tpu.memory_space<vmem>>, vector<1x16xf32>,
      }
      %scan3A_121 = arith.constant 64 : i32
      %mul3A_122 = arith.constant 10112 : i32
      %mul3A_123 = arith.muli %add3A, %mul3A_122 : i32
      %mul3A_124 = arith.constant 128 : i32
      %mul3A_125 = arith.muli %scan3A_77, %mul3A_124 : i32
      %add3A_126 = arith.addi %mul3A_123, %mul3A_125 : i32
      %dma_start3A_127 = arith.constant 0 : i32
      %dma_start3A_128 = arith.constant 0 : i32
      %dma_start3A_129 = tpu.memref_slice %arg8[%rem3A_79, %dma_start3A_127, %dma_start3A_128] : memref<3x128x128xf32, #tpu.memory_space<vmem>> -> memref<1x128x128xf32, #tpu.memory_space<vmem>>
      %dma_start3A_130 = tpu.memref_squeeze %dma_start3A_129 : memref<1x128x128xf32, #tpu.memory_space<vmem>> -> memref<128x128xf32, #tpu.memory_space<vmem>>
      %dma_start3A_131 = arith.constant 0 : i32
      %dma_start3A_132 = tpu.memref_slice %arg5[%add3A_126, %dma_start3A_131] : memref<323584x128xf32, #tpu.memory_space<hbm>> -> memref<128x128xf32, #tpu.memory_space<hbm>>
      %dma_start3A_133 = tpu.memref_slice %arg12[%rem3A_79] : memref<3x!tpu.dma_semaphore, #tpu.memory_space<semaphore_mem>> -> memref<1x!tpu.dma_semaphore, #tpu.memory_space<semaphore_mem>>
      %dma_start3A_134 = tpu.memref_squeeze %dma_start3A_133 : memref<1x!tpu.dma_semaphore, #tpu.memory_space<semaphore_mem>> -> memref<!tpu.dma_semaphore, #tpu.memory_space<semaphore_mem>>
      %dma_start3A_135 = arith.constant 0 : i32
      %dma_start3A_136 = tpu.memref_slice %arg5[%add3A_126, %dma_start3A_135] : memref<323584x128xf32, #tpu.memory_space<hbm>> -> memref<128x128xf32, #tpu.memory_space<hbm>>
      %dma_start3A_137 = arith.constant 0 : i32
      %dma_start3A_138 = arith.constant 0 : i32
      %dma_start3A_139 = tpu.memref_slice %arg8[%rem3A_79, %dma_start3A_137, %dma_start3A_138] : memref<3x128x128xf32, #tpu.memory_space<vmem>> -> memref<1x128x128xf32, #tpu.memory_space<vmem>>
      %dma_start3A_140 = tpu.memref_squeeze %dma_start3A_139 : memref<1x128x128xf32, #tpu.memory_space<vmem>> -> memref<128x128xf32, #tpu.memory_space<vmem>>
      tpu.enqueue_dma source(%dma_start3A_140 : memref<128x128xf32, #tpu.memory_space<vmem>>) target(%dma_start3A_136 : memref<128x128xf32, #tpu.memory_space<hbm>>) target_semaphore(%dma_start3A_134 : memref<!tpu.dma_semaphore, #tpu.memory_space<semaphore_mem>>)
    }
    %scan3A_34 = arith.constant 79 : i32
    %mul3A_35 = arith.constant 10112 : i32
    %mul3A_36 = arith.muli %add3A, %mul3A_35 : i32
    %add3A_37 = arith.constant 0 : i32
    %add3A_38 = arith.addi %mul3A_36, %add3A_37 : i32
    %rem3A = arith.constant 78 : i32
    %rem3A_39 = arith.constant 3 : i32
    %rem3A_40 = arith.remsi %rem3A, %rem3A_39 : i32
    %dma_wait3A = arith.constant 0 : i32
    %dma_wait3A_41 = arith.constant 0 : i32
    %dma_wait3A_42 = arith.constant 0 : i32
    %dma_wait3A_43 = tpu.memref_slice %arg8[%dma_wait3A, %dma_wait3A_41, %dma_wait3A_42] : memref<3x128x128xf32, #tpu.memory_space<vmem>> -> memref<1x128x128xf32, #tpu.memory_space<vmem>>
    %dma_wait3A_44 = tpu.memref_squeeze %dma_wait3A_43 : memref<1x128x128xf32, #tpu.memory_space<vmem>> -> memref<128x128xf32, #tpu.memory_space<vmem>>
    %dma_wait3A_45 = arith.constant 0 : i32
    %dma_wait3A_46 = tpu.memref_slice %arg5[%add3A_38, %dma_wait3A_45] : memref<323584x128xf32, #tpu.memory_space<hbm>> -> memref<128x128xf32, #tpu.memory_space<hbm>>
    %dma_wait3A_47 = tpu.memref_slice %arg12[%rem3A_40] : memref<3x!tpu.dma_semaphore, #tpu.memory_space<semaphore_mem>> -> memref<1x!tpu.dma_semaphore, #tpu.memory_space<semaphore_mem>>
    %dma_wait3A_48 = tpu.memref_squeeze %dma_wait3A_47 : memref<1x!tpu.dma_semaphore, #tpu.memory_space<semaphore_mem>> -> memref<!tpu.dma_semaphore, #tpu.memory_space<semaphore_mem>>
    %dma_wait3A_49 = arith.constant 0 : i32
    %dma_wait3A_50 = tpu.memref_slice %arg5[%add3A_38, %dma_wait3A_49] : memref<323584x128xf32, #tpu.memory_space<hbm>> -> memref<128x128xf32, #tpu.memory_space<hbm>>
    %dma_wait3A_51 = arith.constant 0 : i32
    %dma_wait3A_52 = arith.constant 0 : i32
    %dma_wait3A_53 = tpu.memref_slice %arg8[%dma_wait3A, %dma_wait3A_51, %dma_wait3A_52] : memref<3x128x128xf32, #tpu.memory_space<vmem>> -> memref<1x128x128xf32, #tpu.memory_space<vmem>>
    %dma_wait3A_54 = tpu.memref_squeeze %dma_wait3A_53 : memref<1x128x128xf32, #tpu.memory_space<vmem>> -> memref<128x128xf32, #tpu.memory_space<vmem>>
    tpu.wait_dma2 semaphore(%dma_wait3A_48 : memref<!tpu.dma_semaphore, #tpu.memory_space<semaphore_mem>>) src(%dma_wait3A_54 : memref<128x128xf32, #tpu.memory_space<vmem>>) dst(%dma_wait3A_50 : memref<128x128xf32, #tpu.memory_space<hbm>>)
    %mul3A_55 = arith.constant 10112 : i32
    %mul3A_56 = arith.muli %add3A, %mul3A_55 : i32
    %add3A_57 = arith.constant 0 : i32
    %add3A_58 = arith.addi %mul3A_56, %add3A_57 : i32
    %rem3A_59 = arith.constant 77 : i32
    %rem3A_60 = arith.constant 3 : i32
    %rem3A_61 = arith.remsi %rem3A_59, %rem3A_60 : i32
    %dma_wait3A_62 = arith.constant 0 : i32
    %dma_wait3A_63 = arith.constant 0 : i32
    %dma_wait3A_64 = arith.constant 0 : i32
    %dma_wait3A_65 = tpu.memref_slice %arg8[%dma_wait3A_62, %dma_wait3A_63, %dma_wait3A_64] : memref<3x128x128xf32, #tpu.memory_space<vmem>> -> memref<1x128x128xf32, #tpu.memory_space<vmem>>
    %dma_wait3A_66 = tpu.memref_squeeze %dma_wait3A_65 : memref<1x128x128xf32, #tpu.memory_space<vmem>> -> memref<128x128xf32, #tpu.memory_space<vmem>>
    %dma_wait3A_67 = arith.constant 0 : i32
    %dma_wait3A_68 = tpu.memref_slice %arg5[%add3A_58, %dma_wait3A_67] : memref<323584x128xf32, #tpu.memory_space<hbm>> -> memref<128x128xf32, #tpu.memory_space<hbm>>
    %dma_wait3A_69 = tpu.memref_slice %arg12[%rem3A_61] : memref<3x!tpu.dma_semaphore, #tpu.memory_space<semaphore_mem>> -> memref<1x!tpu.dma_semaphore, #tpu.memory_space<semaphore_mem>>
    %dma_wait3A_70 = tpu.memref_squeeze %dma_wait3A_69 : memref<1x!tpu.dma_semaphore, #tpu.memory_space<semaphore_mem>> -> memref<!tpu.dma_semaphore, #tpu.memory_space<semaphore_mem>>
    %dma_wait3A_71 = arith.constant 0 : i32
    %dma_wait3A_72 = tpu.memref_slice %arg5[%add3A_58, %dma_wait3A_71] : memref<323584x128xf32, #tpu.memory_space<hbm>> -> memref<128x128xf32, #tpu.memory_space<hbm>>
    %dma_wait3A_73 = arith.constant 0 : i32
    %dma_wait3A_74 = arith.constant 0 : i32
    %dma_wait3A_75 = tpu.memref_slice %arg8[%dma_wait3A_62, %dma_wait3A_73, %dma_wait3A_74] : memref<3x128x128xf32, #tpu.memory_space<vmem>> -> memref<1x128x128xf32, #tpu.memory_space<vmem>>
    %dma_wait3A_76 = tpu.memref_squeeze %dma_wait3A_75 : memref<1x128x128xf32, #tpu.memory_space<vmem>> -> memref<128x128xf32, #tpu.memory_space<vmem>>
    tpu.wait_dma2 semaphore(%dma_wait3A_70 : memref<!tpu.dma_semaphore, #tpu.memory_space<semaphore_mem>>) src(%dma_wait3A_76 : memref<128x128xf32, #tpu.memory_space<vmem>>) dst(%dma_wait3A_72 : memref<128x128xf32, #tpu.memory_space<hbm>>)
    return
  }
}

module attributes {stable_mosaic.version = 14 : i64} {
  func.func @_tc_prologue_body(%arg0: i32, %arg1: memref<1024x128xf32, #tpu.memory_space<vmem>>, %arg2: memref<128x128xf32, #tpu.memory_space<vmem>>, %arg3: memref<2x1024x128xf32, #tpu.memory_space<vmem>>, %arg4: memref<1024x128xf32, #tpu.memory_space<vmem>>, %arg5: memref<1024x1xf32, #tpu.memory_space<vmem>>) attributes {dimension_semantics = [#tpu.dimension_semantics<arbitrary>], iteration_bounds = array<i64: 10>, scalar_prefetch = 0 : i64, scratch_operands = 0 : i64, tpu.core_type = #tpu.core_type<tc>, window_params = [{transform_indices = @transform_0, window_bounds = array<i64: 1024, 128>}, {pipeline_mode = #tpu.pipeline_mode<synchronous>, transform_indices = @transform_1, window_bounds = array<i64: 128, 128>}, {transform_indices = @transform_2, window_bounds = array<i64: 2, 1024, 128>}, {transform_indices = @transform_3, window_bounds = array<i64: 1024, 128>}, {transform_indices = @transform_4, window_bounds = array<i64: 1024, 1>}]} {
    %get3A = arith.constant 0 : index
    %get3A_0 = arith.constant 0 : index
    %get3A_1 = vector.load %arg1[%get3A, %get3A_0] : memref<1024x128xf32, #tpu.memory_space<vmem>>, vector<1024x128xf32>
    %get3A_2 = arith.constant 0 : index
    %get3A_3 = arith.constant 0 : index
    %get3A_4 = vector.load %arg2[%get3A_2, %get3A_3] : memref<128x128xf32, #tpu.memory_space<vmem>>, vector<128x128xf32>
    %dot_general3A = arith.constant dense<0.000000e+00> : vector<1024x128xf32>
    %dot_general3A_5 = tpu.matmul %get3A_1, %get3A_4, %dot_general3A {dimension_numbers = #tpu.dot_dimension_numbers<[1], [0], [0], [1], [0, 0, 1, 1], [], []>, transpose_lhs_hint = false} : vector<1024x128xf32>, vector<128x128xf32>, vector<1024x128xf32> -> vector<1024x128xf32>
    %get3A_6 = arith.constant 0 : index
    %get3A_7 = arith.constant 0 : index
    %get3A_8 = arith.constant 0 : index
    %get3A_9 = vector.load %arg3[%get3A_6, %get3A_7, %get3A_8] : memref<2x1024x128xf32, #tpu.memory_space<vmem>>, vector<1x1024x1xf32>
    %get3A_10 = vector.shape_cast %get3A_9 : vector<1x1024x1xf32> to vector<1024x1xf32>
    %get3A_11 = arith.constant 1 : index
    %get3A_12 = arith.constant 0 : index
    %get3A_13 = arith.constant 0 : index
    %get3A_14 = vector.load %arg3[%get3A_11, %get3A_12, %get3A_13] : memref<2x1024x128xf32, #tpu.memory_space<vmem>>, vector<1x1024x1xf32>
    %get3A_15 = vector.shape_cast %get3A_14 : vector<1x1024x1xf32> to vector<1024x1xf32>
    %add3A = arith.addf %get3A_10, %get3A_15 : vector<1024x1xf32>
    %add3A_16 = arith.constant 1.000000e+00 : f32
    %add3A_17 = vector.broadcast %add3A_16 : f32 to vector<1024x1xf32>
    %add3A_18 = arith.addf %add3A, %add3A_17 : vector<1024x1xf32>
    %rsqrt3A = math.rsqrt %add3A_18 : vector<1024x1xf32>
    %mul3A = vector.broadcast %rsqrt3A : vector<1024x1xf32> to vector<1024x128xf32>
    %mul3A_19 = arith.mulf %dot_general3A_5, %mul3A : vector<1024x128xf32>
    %swap3A = arith.constant 0 : index
    %swap3A_20 = arith.constant 0 : index
    %swap3A_21 = vector.load %arg4[%swap3A, %swap3A_20] : memref<1024x128xf32, #tpu.memory_space<vmem>>, vector<1024x128xf32>
    tpu.vector_store %arg4[%swap3A, %swap3A_20], %mul3A_19 {strides = array<i32>} : memref<1024x128xf32, #tpu.memory_space<vmem>>, vector<1024x128xf32>,
    %swap3A_22 = arith.constant 0 : index
    %swap3A_23 = arith.constant 0 : index
    %swap3A_24 = vector.load %arg5[%swap3A_22, %swap3A_23] : memref<1024x1xf32, #tpu.memory_space<vmem>>, vector<1024x1xf32>
    tpu.vector_store %arg5[%swap3A_22, %swap3A_23], %rsqrt3A {strides = array<i32>} : memref<1024x1xf32, #tpu.memory_space<vmem>>, vector<1024x1xf32>,
    return
  }
  func.func @transform_0(%arg0: i32) -> (i32, i32) {
    %c0_i32 = arith.constant 0 : i32
    %c0_i32_0 = arith.constant 0 : i32
    return %arg0, %c0_i32 : i32, i32
  }
  func.func @transform_1(%arg0: i32) -> (i32, i32) {
    %c0_i32 = arith.constant 0 : i32
    %c0_i32_0 = arith.constant 0 : i32
    %c0_i32_1 = arith.constant 0 : i32
    return %c0_i32, %c0_i32_0 : i32, i32
  }
  func.func @transform_2(%arg0: i32) -> (i32, i32, i32) {
    %c0_i32 = arith.constant 0 : i32
    %c0_i32_0 = arith.constant 0 : i32
    %c0_i32_1 = arith.constant 0 : i32
    return %c0_i32, %arg0, %c0_i32_0 : i32, i32, i32
  }
  func.func @transform_3(%arg0: i32) -> (i32, i32) {
    %c0_i32 = arith.constant 0 : i32
    %c0_i32_0 = arith.constant 0 : i32
    return %arg0, %c0_i32 : i32, i32
  }
  func.func @transform_4(%arg0: i32) -> (i32, i32) {
    %c0_i32 = arith.constant 0 : i32
    %c0_i32_0 = arith.constant 0 : i32
    return %arg0, %c0_i32 : i32, i32
  }
}

module attributes {stable_mosaic.version = 14 : i64} {
  func.func @_tc_node_mlp_body(%arg0: i32, %arg1: memref<2x1024x128xf32, #tpu.memory_space<vmem>>, %arg2: memref<1024x128xf32, #tpu.memory_space<vmem>>, %arg3: memref<1024x1xf32, #tpu.memory_space<vmem>>, %arg4: memref<1x128xf32, #tpu.memory_space<vmem>>, %arg5: memref<128x128xf32, #tpu.memory_space<vmem>>, %arg6: memref<1x128xf32, #tpu.memory_space<vmem>>, %arg7: memref<128x128xf32, #tpu.memory_space<vmem>>, %arg8: memref<1x128xf32, #tpu.memory_space<vmem>>, %arg9: memref<1024x128xf32, #tpu.memory_space<vmem>>) attributes {dimension_semantics = [#tpu.dimension_semantics<arbitrary>], iteration_bounds = array<i64: 10>, scalar_prefetch = 0 : i64, scratch_operands = 0 : i64, tpu.core_type = #tpu.core_type<tc>, window_params = [{transform_indices = @transform_0, window_bounds = array<i64: 2, 1024, 128>}, {transform_indices = @transform_1, window_bounds = array<i64: 1024, 128>}, {transform_indices = @transform_2, window_bounds = array<i64: 1024, 1>}, {pipeline_mode = #tpu.pipeline_mode<synchronous>, transform_indices = @transform_3, window_bounds = array<i64: 1, 128>}, {pipeline_mode = #tpu.pipeline_mode<synchronous>, transform_indices = @transform_4, window_bounds = array<i64: 128, 128>}, {pipeline_mode = #tpu.pipeline_mode<synchronous>, transform_indices = @transform_5, window_bounds = array<i64: 1, 128>}, {pipeline_mode = #tpu.pipeline_mode<synchronous>, transform_indices = @transform_6, window_bounds = array<i64: 128, 128>}, {pipeline_mode = #tpu.pipeline_mode<synchronous>, transform_indices = @transform_7, window_bounds = array<i64: 1, 128>}, {transform_indices = @transform_8, window_bounds = array<i64: 1024, 128>}]} {
    %get3A = arith.constant 0 : index
    %get3A_0 = arith.constant 0 : index
    %get3A_1 = arith.constant 0 : index
    %get3A_2 = vector.load %arg1[%get3A, %get3A_0, %get3A_1] : memref<2x1024x128xf32, #tpu.memory_space<vmem>>, vector<1x1024x128xf32>
    %get3A_3 = vector.shape_cast %get3A_2 : vector<1x1024x128xf32> to vector<1024x128xf32>
    %get3A_4 = arith.constant 1 : index
    %get3A_5 = arith.constant 0 : index
    %get3A_6 = arith.constant 0 : index
    %get3A_7 = vector.load %arg1[%get3A_4, %get3A_5, %get3A_6] : memref<2x1024x128xf32, #tpu.memory_space<vmem>>, vector<1x1024x128xf32>
    %get3A_8 = vector.shape_cast %get3A_7 : vector<1x1024x128xf32> to vector<1024x128xf32>
    %add3A = arith.addf %get3A_3, %get3A_8 : vector<1024x128xf32>
    %get3A_9 = arith.constant 0 : index
    %get3A_10 = arith.constant 0 : index
    %get3A_11 = vector.load %arg2[%get3A_9, %get3A_10] : memref<1024x128xf32, #tpu.memory_space<vmem>>, vector<1024x128xf32>
    %add3A_12 = arith.addf %add3A, %get3A_11 : vector<1024x128xf32>
    %get3A_13 = arith.constant 0 : index
    %get3A_14 = arith.constant 0 : index
    %get3A_15 = vector.load %arg3[%get3A_13, %get3A_14] : memref<1024x1xf32, #tpu.memory_space<vmem>>, vector<1024x1xf32>
    %mul3A = vector.broadcast %get3A_15 : vector<1024x1xf32> to vector<1024x128xf32>
    %mul3A_16 = arith.mulf %add3A_12, %mul3A : vector<1024x128xf32>
    %get3A_17 = arith.constant 0 : index
    %get3A_18 = arith.constant 0 : index
    %get3A_19 = vector.load %arg4[%get3A_17, %get3A_18] : memref<1x128xf32, #tpu.memory_space<vmem>>, vector<1x128xf32>
    %add3A_20 = vector.broadcast %get3A_19 : vector<1x128xf32> to vector<1024x128xf32>
    %add3A_21 = arith.addf %mul3A_16, %add3A_20 : vector<1024x128xf32>
    %max3A = arith.constant 0.000000e+00 : f32
    %max3A_22 = vector.broadcast %max3A : f32 to vector<1024x128xf32>
    %max3A_23 = arith.maximumf %add3A_21, %max3A_22 : vector<1024x128xf32>
    %get3A_24 = arith.constant 0 : index
    %get3A_25 = arith.constant 0 : index
    %get3A_26 = vector.load %arg5[%get3A_24, %get3A_25] : memref<128x128xf32, #tpu.memory_space<vmem>>, vector<128x128xf32>
    %dot_general3A = arith.constant dense<0.000000e+00> : vector<1024x128xf32>
    %dot_general3A_27 = tpu.matmul %max3A_23, %get3A_26, %dot_general3A {dimension_numbers = #tpu.dot_dimension_numbers<[1], [0], [0], [1], [0, 0, 1, 1], [], []>, transpose_lhs_hint = false} : vector<1024x128xf32>, vector<128x128xf32>, vector<1024x128xf32> -> vector<1024x128xf32>
    %get3A_28 = arith.constant 0 : index
    %get3A_29 = arith.constant 0 : index
    %get3A_30 = vector.load %arg6[%get3A_28, %get3A_29] : memref<1x128xf32, #tpu.memory_space<vmem>>, vector<1x128xf32>
    %add3A_31 = vector.broadcast %get3A_30 : vector<1x128xf32> to vector<1024x128xf32>
    %add3A_32 = arith.addf %dot_general3A_27, %add3A_31 : vector<1024x128xf32>
    %max3A_33 = arith.constant 0.000000e+00 : f32
    %max3A_34 = vector.broadcast %max3A_33 : f32 to vector<1024x128xf32>
    %max3A_35 = arith.maximumf %add3A_32, %max3A_34 : vector<1024x128xf32>
    %get3A_36 = arith.constant 0 : index
    %get3A_37 = arith.constant 0 : index
    %get3A_38 = vector.load %arg7[%get3A_36, %get3A_37] : memref<128x128xf32, #tpu.memory_space<vmem>>, vector<128x128xf32>
    %dot_general3A_39 = arith.constant dense<0.000000e+00> : vector<1024x128xf32>
    %dot_general3A_40 = tpu.matmul %max3A_35, %get3A_38, %dot_general3A_39 {dimension_numbers = #tpu.dot_dimension_numbers<[1], [0], [0], [1], [0, 0, 1, 1], [], []>, transpose_lhs_hint = false} : vector<1024x128xf32>, vector<128x128xf32>, vector<1024x128xf32> -> vector<1024x128xf32>
    %get3A_41 = arith.constant 0 : index
    %get3A_42 = arith.constant 0 : index
    %get3A_43 = vector.load %arg8[%get3A_41, %get3A_42] : memref<1x128xf32, #tpu.memory_space<vmem>>, vector<1x128xf32>
    %add3A_44 = vector.broadcast %get3A_43 : vector<1x128xf32> to vector<1024x128xf32>
    %add3A_45 = arith.addf %dot_general3A_40, %add3A_44 : vector<1024x128xf32>
    %max3A_46 = arith.constant 0.000000e+00 : f32
    %max3A_47 = vector.broadcast %max3A_46 : f32 to vector<1024x128xf32>
    %max3A_48 = arith.maximumf %add3A_45, %max3A_47 : vector<1024x128xf32>
    %get3A_49 = arith.constant 0 : index
    %get3A_50 = arith.constant 0 : index
    %get3A_51 = vector.load %arg5[%get3A_49, %get3A_50] : memref<128x128xf32, #tpu.memory_space<vmem>>, vector<128x128xf32>
    %dot_general3A_52 = arith.constant dense<0.000000e+00> : vector<1024x128xf32>
    %dot_general3A_53 = tpu.matmul %max3A_48, %get3A_51, %dot_general3A_52 {dimension_numbers = #tpu.dot_dimension_numbers<[1], [0], [0], [1], [0, 0, 1, 1], [], []>, transpose_lhs_hint = false} : vector<1024x128xf32>, vector<128x128xf32>, vector<1024x128xf32> -> vector<1024x128xf32>
    %get3A_54 = arith.constant 0 : index
    %get3A_55 = arith.constant 0 : index
    %get3A_56 = vector.load %arg6[%get3A_54, %get3A_55] : memref<1x128xf32, #tpu.memory_space<vmem>>, vector<1x128xf32>
    %add3A_57 = vector.broadcast %get3A_56 : vector<1x128xf32> to vector<1024x128xf32>
    %add3A_58 = arith.addf %dot_general3A_53, %add3A_57 : vector<1024x128xf32>
    %mul3A_59 = arith.constant 5.000000e-01 : f32
    %mul3A_60 = vector.broadcast %mul3A_59 : f32 to vector<1024x128xf32>
    %mul3A_61 = arith.mulf %mul3A_60, %add3A_58 : vector<1024x128xf32>
    %swap3A = arith.constant 0 : index
    %swap3A_62 = arith.constant 0 : index
    %swap3A_63 = vector.load %arg9[%swap3A, %swap3A_62] : memref<1024x128xf32, #tpu.memory_space<vmem>>, vector<1024x128xf32>
    tpu.vector_store %arg9[%swap3A, %swap3A_62], %mul3A_61 {strides = array<i32>} : memref<1024x128xf32, #tpu.memory_space<vmem>>, vector<1024x128xf32>,
    return
  }
  func.func @transform_0(%arg0: i32) -> (i32, i32, i32) {
    %c0_i32 = arith.constant 0 : i32
    %c0_i32_0 = arith.constant 0 : i32
    %c0_i32_1 = arith.constant 0 : i32
    return %c0_i32, %arg0, %c0_i32_0 : i32, i32, i32
  }
  func.func @transform_1(%arg0: i32) -> (i32, i32) {
    %c0_i32 = arith.constant 0 : i32
    %c0_i32_0 = arith.constant 0 : i32
    return %arg0, %c0_i32 : i32, i32
  }
  func.func @transform_2(%arg0: i32) -> (i32, i32) {
    %c0_i32 = arith.constant 0 : i32
    %c0_i32_0 = arith.constant 0 : i32
    return %arg0, %c0_i32 : i32, i32
  }
  func.func @transform_3(%arg0: i32) -> (i32, i32) {
    %c0_i32 = arith.constant 0 : i32
    %c0_i32_0 = arith.constant 0 : i32
    %c0_i32_1 = arith.constant 0 : i32
    return %c0_i32, %c0_i32_0 : i32, i32
  }
  func.func @transform_4(%arg0: i32) -> (i32, i32) {
    %c0_i32 = arith.constant 0 : i32
    %c0_i32_0 = arith.constant 0 : i32
    %c0_i32_1 = arith.constant 0 : i32
    return %c0_i32, %c0_i32_0 : i32, i32
  }
  func.func @transform_5(%arg0: i32) -> (i32, i32) {
    %c0_i32 = arith.constant 0 : i32
    %c0_i32_0 = arith.constant 0 : i32
    %c0_i32_1 = arith.constant 0 : i32
    return %c0_i32, %c0_i32_0 : i32, i32
  }
  func.func @transform_6(%arg0: i32) -> (i32, i32) {
    %c0_i32 = arith.constant 0 : i32
    %c0_i32_0 = arith.constant 0 : i32
    %c0_i32_1 = arith.constant 0 : i32
    return %c0_i32, %c0_i32_0 : i32, i32
  }
  func.func @transform_7(%arg0: i32) -> (i32, i32) {
    %c0_i32 = arith.constant 0 : i32
    %c0_i32_0 = arith.constant 0 : i32
    %c0_i32_1 = arith.constant 0 : i32
    return %c0_i32, %c0_i32_0 : i32, i32
  }
  func.func @transform_8(%arg0: i32) -> (i32, i32) {
    %c0_i32 = arith.constant 0 : i32
    %c0_i32_0 = arith.constant 0 : i32
    return %arg0, %c0_i32 : i32, i32
  }
}

module attributes {stable_mosaic.version = 14 : i64} {
  func.func @_tc_edge_head_body(%arg0: i32, %arg1: memref<8192x128xf32, #tpu.memory_space<vmem>>, %arg2: memref<128x128xf32, #tpu.memory_space<vmem>>, %arg3: memref<1x128xf32, #tpu.memory_space<vmem>>, %arg4: memref<128x2xf32, #tpu.memory_space<vmem>>, %arg5: memref<1x2xf32, #tpu.memory_space<vmem>>, %arg6: memref<8192x2xf32, #tpu.memory_space<vmem>>) attributes {dimension_semantics = [#tpu.dimension_semantics<arbitrary>], iteration_bounds = array<i64: 40>, scalar_prefetch = 0 : i64, scratch_operands = 0 : i64, tpu.core_type = #tpu.core_type<tc>, window_params = [{transform_indices = @transform_0, window_bounds = array<i64: 8192, 128>}, {pipeline_mode = #tpu.pipeline_mode<synchronous>, transform_indices = @transform_1, window_bounds = array<i64: 128, 128>}, {pipeline_mode = #tpu.pipeline_mode<synchronous>, transform_indices = @transform_2, window_bounds = array<i64: 1, 128>}, {pipeline_mode = #tpu.pipeline_mode<synchronous>, transform_indices = @transform_3, window_bounds = array<i64: 128, 2>}, {pipeline_mode = #tpu.pipeline_mode<synchronous>, transform_indices = @transform_4, window_bounds = array<i64: 1, 2>}, {transform_indices = @transform_5, window_bounds = array<i64: 8192, 2>}]} {
    %get3A = arith.constant 0 : index
    %get3A_0 = arith.constant 0 : index
    %get3A_1 = vector.load %arg1[%get3A, %get3A_0] : memref<8192x128xf32, #tpu.memory_space<vmem>>, vector<8192x128xf32>
    %max3A = arith.constant 0.000000e+00 : f32
    %max3A_2 = vector.broadcast %max3A : f32 to vector<8192x128xf32>
    %max3A_3 = arith.maximumf %get3A_1, %max3A_2 : vector<8192x128xf32>
    %convert_element_type3A = arith.truncf %max3A_3 : vector<8192x128xf32> to vector<8192x128xbf16>
    %get3A_4 = arith.constant 0 : index
    %get3A_5 = arith.constant 0 : index
    %get3A_6 = vector.load %arg2[%get3A_4, %get3A_5] : memref<128x128xf32, #tpu.memory_space<vmem>>, vector<128x128xf32>
    %convert_element_type3A_7 = arith.truncf %get3A_6 : vector<128x128xf32> to vector<128x128xbf16>
    %dot_general3A = arith.constant dense<0.000000e+00> : vector<8192x128xf32>
    %dot_general3A_8 = tpu.matmul %convert_element_type3A, %convert_element_type3A_7, %dot_general3A {dimension_numbers = #tpu.dot_dimension_numbers<[1], [0], [0], [1], [0, 0, 1, 1], [], []>, transpose_lhs_hint = false} : vector<8192x128xbf16>, vector<128x128xbf16>, vector<8192x128xf32> -> vector<8192x128xf32>
    %get3A_9 = arith.constant 0 : index
    %get3A_10 = arith.constant 0 : index
    %get3A_11 = vector.load %arg3[%get3A_9, %get3A_10] : memref<1x128xf32, #tpu.memory_space<vmem>>, vector<1x128xf32>
    %add3A = vector.broadcast %get3A_11 : vector<1x128xf32> to vector<8192x128xf32>
    %add3A_12 = arith.addf %dot_general3A_8, %add3A : vector<8192x128xf32>
    %max3A_13 = arith.constant 0.000000e+00 : f32
    %max3A_14 = vector.broadcast %max3A_13 : f32 to vector<8192x128xf32>
    %max3A_15 = arith.maximumf %add3A_12, %max3A_14 : vector<8192x128xf32>
    %convert_element_type3A_16 = arith.truncf %max3A_15 : vector<8192x128xf32> to vector<8192x128xbf16>
    %get3A_17 = arith.constant 0 : index
    %get3A_18 = arith.constant 0 : index
    %get3A_19 = vector.load %arg4[%get3A_17, %get3A_18] : memref<128x2xf32, #tpu.memory_space<vmem>>, vector<128x2xf32>
    %convert_element_type3A_20 = arith.truncf %get3A_19 : vector<128x2xf32> to vector<128x2xbf16>
    %dot_general3A_21 = arith.constant dense<0.000000e+00> : vector<8192x2xf32>
    %dot_general3A_22 = tpu.matmul %convert_element_type3A_16, %convert_element_type3A_20, %dot_general3A_21 {dimension_numbers = #tpu.dot_dimension_numbers<[1], [0], [0], [1], [0, 0, 1, 1], [], []>, transpose_lhs_hint = false} : vector<8192x128xbf16>, vector<128x2xbf16>, vector<8192x2xf32> -> vector<8192x2xf32>
    %get3A_23 = arith.constant 0 : index
    %get3A_24 = arith.constant 0 : index
    %get3A_25 = vector.load %arg5[%get3A_23, %get3A_24] : memref<1x2xf32, #tpu.memory_space<vmem>>, vector<1x2xf32>
    %add3A_26 = vector.broadcast %get3A_25 : vector<1x2xf32> to vector<8192x2xf32>
    %add3A_27 = arith.addf %dot_general3A_22, %add3A_26 : vector<8192x2xf32>
    %slice3A = vector.extract_strided_slice %add3A_27 {offsets = [0, 0], sizes = [8192, 1], strides = [1, 1]} : vector<8192x2xf32> to vector<8192x1xf32>
    %slice3A_28 = vector.extract_strided_slice %add3A_27 {offsets = [0, 1], sizes = [8192, 1], strides = [1, 1]} : vector<8192x2xf32> to vector<8192x1xf32>
    %max3A_29 = arith.maximumf %slice3A, %slice3A_28 : vector<8192x1xf32>
    %sub3A = arith.subf %slice3A, %max3A_29 : vector<8192x1xf32>
    %exp3A = math.exp %sub3A : vector<8192x1xf32>
    %sub3A_30 = arith.subf %slice3A_28, %max3A_29 : vector<8192x1xf32>
    %exp3A_31 = math.exp %sub3A_30 : vector<8192x1xf32>
    %add3A_32 = arith.addf %exp3A, %exp3A_31 : vector<8192x1xf32>
    %log3A = math.log %add3A_32 : vector<8192x1xf32>
    %add3A_33 = arith.addf %max3A_29, %log3A : vector<8192x1xf32>
    %sub3A_34 = vector.broadcast %add3A_33 : vector<8192x1xf32> to vector<8192x2xf32>
    %sub3A_35 = arith.subf %add3A_27, %sub3A_34 : vector<8192x2xf32>
    %swap3A = arith.constant 0 : index
    %swap3A_36 = arith.constant 0 : index
    %swap3A_37 = vector.load %arg6[%swap3A, %swap3A_36] : memref<8192x2xf32, #tpu.memory_space<vmem>>, vector<8192x2xf32>
    tpu.vector_store %arg6[%swap3A, %swap3A_36], %sub3A_35 {strides = array<i32>} : memref<8192x2xf32, #tpu.memory_space<vmem>>, vector<8192x2xf32>,
    return
  }
  func.func @transform_0(%arg0: i32) -> (i32, i32) {
    %c0_i32 = arith.constant 0 : i32
    %c0_i32_0 = arith.constant 0 : i32
    return %arg0, %c0_i32 : i32, i32
  }
  func.func @transform_1(%arg0: i32) -> (i32, i32) {
    %c0_i32 = arith.constant 0 : i32
    %c0_i32_0 = arith.constant 0 : i32
    %c0_i32_1 = arith.constant 0 : i32
    return %c0_i32, %c0_i32_0 : i32, i32
  }
  func.func @transform_2(%arg0: i32) -> (i32, i32) {
    %c0_i32 = arith.constant 0 : i32
    %c0_i32_0 = arith.constant 0 : i32
    %c0_i32_1 = arith.constant 0 : i32
    return %c0_i32, %c0_i32_0 : i32, i32
  }
  func.func @transform_3(%arg0: i32) -> (i32, i32) {
    %c0_i32 = arith.constant 0 : i32
    %c0_i32_0 = arith.constant 0 : i32
    %c0_i32_1 = arith.constant 0 : i32
    return %c0_i32, %c0_i32_0 : i32, i32
  }
  func.func @transform_4(%arg0: i32) -> (i32, i32) {
    %c0_i32 = arith.constant 0 : i32
    %c0_i32_0 = arith.constant 0 : i32
    %c0_i32_1 = arith.constant 0 : i32
    return %c0_i32, %c0_i32_0 : i32, i32
  }
  func.func @transform_5(%arg0: i32) -> (i32, i32) {
    %c0_i32 = arith.constant 0 : i32
    %c0_i32_0 = arith.constant 0 : i32
    return %arg0, %c0_i32 : i32, i32
  }
}

</mosaic_0001>

<sc_bundles>
// kernel: kernel.11.cloned.1.call-start
scs
__scs_entry_jumppad:
0x0: {  	(pc) =	sbr.rel $0x88, $3  }
0x1: {  	(tag) =	ssettag $0x0;
	lr =	simm.s32 $0x1  }
0x2: {  	[smem:$0x3F97] =	sst lr;
	_ =	strace $0xD0000000  }
0x3: {  	_ = 	snop  }
0x4: {  	_ = 	snop  }
0x5: {  	_ = 	snop  }
0x6: {  	_ = 	snop  }
0x7: {  	_ = 	snop  }
__scs_overlays_trampoline_lowered:
0x8: {  	[smem:$0x3FA6] =	sst s0  }
0x9: {  	[smem:$0x3FA7] =	sst s1  }
0xa: {  	[smem:$0x3FA8] =	sst s2  }
0xb: {  	[smem:$0x3FA9] =	sst s3  }
0xc: {  	[smem:$0x3FAA] =	sst s4  }
0xd: {  	[smem:$0x3FAB] =	sst s5  }
0xe: {  	[smem:$0x3FAC] =	sst s6  }
0xf: {  	[smem:$0x3FAD] =	sst s7  }
0x10: {  	[smem:$0x3FAE] =	sst s8  }
0x11: {  	[smem:$0x3FAF] =	sst s9;
	s0 =	simm.s32 @!p0 $0x0  }
0x12: {  	s1 =	sld [smem:$0x3F95];
	s0 =	simm.s32 @p0 $0x1  }
0x13: {  	[smem:$0x3FB0] =	sst s0;
	s0 =	simm.s32 @!p1 $0x0  }
0x14: {  	s2 =	sld [smem:$0x3F94];
	s0 =	simm.s32 @p1 $0x1  }
0x15: {  	[smem:$0x3FB1] =	sst s0;
	s0 =	simm.s32 @!p2 $0x0  }
0x16: {  	s3 =	sld [smem:$0x3FDB];
	s0 =	simm.s32 @p2 $0x1  }
0x17: {  	s4 =	simm.s32 $0x1BF5;
	[smem:$0x3FB3] =	sst s0  }
0x18: {  	s0 =	sld [smem:$0x3F96];
	_ =	swait.ge [sflag:s4], $0x0  }
0x19: {  	s7 =	sld [smem:$0x3F97]  }
0x1a: {  	s8 =	sadd.s32 $0xFFFFE003, lr  }
0x1b: {  	s9 =	sadd.s32 $0xFFFFFEF7, lr;
	s5 =	simm.s32 $0xFFFFFFFF;
	p2 =	slt.u32 s8, $0xFFFFF086  }
0x1c: {  	p1 =	slt.u32 s9, $0xF7A;
	s5 =	simm.s32 @!p2 $0x0  }
0x1d: {  	s5 =	simm.s32 @p1 $0x1;
	p0 =	seq.s32 s7, s2  }
0x1e: {  	s7 =	smul.u32 @!p0 $0xF7A, s2;
	p2 =	seq.s32 @!p0 s5, $0x0  }
0x1f: {  	s9 =	smul.u32 $0xF7A, s1;
	s8 =	simm.s32 @!p0 $0x1BF5;
	p2 =	por !p2, p0  }
0x20: {  	[sflag:s8] =	ssyncset.s32 @!p0 $0xFFFFF086;
	s6 =	sadd.s32 @!p0 s3, s7;
	s7 =	simm.s32 @!p0 $0x108  }
0x21: {  	s3 =	sadd.s32 s3, s9;
	s6 =	sadd.s32 @!p0 $0x88, s6;
	s7 =	simm.s32 @p2 $0x1082  }
0x22: {  	[simem:s7], [sflag:s8] =	dma.local @!p0 [hbm:s6], $0xF7A  }
0x23: {  	s9 =	sor.u32 $0xD0000000, s2;
	s6 =	simm.s32 $0x108;
	_ =	swait.ge @!p0 [sflag:s8], $0x0  }
0x24: {  	s3 =	sadd.s32 $0x88, s3;
	s6 =	simm.s32 @!p1 $0x1082;
	[sflag:s4] =	ssyncset.s32 $0xFFFFF086  }
0x25: {  	[simem:s6], [sflag:s4] =	dma.local [hbm:s3], $0xF7A  }
0x26: {  	[smem:$0x3F97] =	sst s1;
	(tag) =	ssettag s2;
	_ =	strace s9  }
0x27: {  	s1 =	sld [smem:$0x3FA7]  }
0x28: {  	s2 =	sld [smem:$0x3FA8]  }
0x29: {  	s4 =	sld [smem:$0x3FAA]  }
0x2a: {  	p0 =	seq.s32 s5, $0x0;
	s5 =	sld [smem:$0x3FAB]  }
0x2b: {  	s6 =	sld [smem:$0x3FAC]  }
0x2c: {  	s7 =	sld [smem:$0x3FAD]  }
0x2d: {  	s3 =	simm.s32 $0x108;
	s8 =	sld [smem:$0x3FAE]  }
0x2e: {  	s3 =	simm.s32 @!p0 $0x1082;
	s9 =	sld [smem:$0x3FAF]  }
0x2f: {  	lr =	sadd.s32 s0, s3;
	s0 =	sld [smem:$0x3FA6]  }
0x30: {  	s3 =	sld [smem:$0x3FA9]  }
0x31: {  	[smem:$0x3FB2] =	sst s10  }
0x32: {  	s10 =	sld [smem:$0x3FB0];
	_ =	sdelay $0x3  }
0x33: {  	p0 =	seq.s32 s10, $0x1;
	s10 =	sld [smem:$0x3FB2];
	_ =	sdelay $0x3  }
0x34: {  	[smem:$0x3FB2] =	sst s10  }
0x35: {  	s10 =	sld [smem:$0x3FB1];
	_ =	sdelay $0x3  }
0x36: {  	p1 =	seq.s32 s10, $0x1;
	s10 =	sld [smem:$0x3FB2];
	_ =	sdelay $0x3  }
0x37: {  	[smem:$0x3FB2] =	sst s10  }
0x38: {  	s10 =	sld [smem:$0x3FB3]  }
0x39: {  	_ = 	snop;
	(pc) =	sbr.ind lr, $3  }
0x3a: {  	_ = 	snop  }
0x3b: {  	_ = 	snop  }
0x3c: {  	p2 =	seq.s32 s10, $0x1;
	s10 =	sld [smem:$0x3FB2]  }
0x3d: {  	_ =	shalt  }
0x3e: {  	_ =	shalt  }
0x3f: {  	_ =	shalt  }
0x40: {  	_ =	shalt  }
0x41: {  	_ =	shalt  }
0x42: {  	_ =	shalt  }
0x43: {  	_ =	shalt  }
0x44: {  	_ =	shalt  }
0x45: {  	_ =	shalt  }
0x46: {  	_ =	shalt  }
0x47: {  	_ =	shalt  }
0x48: {  	_ =	shalt  }
0x49: {  	_ =	shalt  }
0x4a: {  	_ =	shalt  }
0x4b: {  	_ =	shalt  }
0x4c: {  	_ =	shalt  }
0x4d: {  	_ =	shalt  }
0x4e: {  	_ =	shalt  }
0x4f: {  	_ =	shalt  }
0x50: {  	_ =	shalt  }
0x51: {  	_ =	shalt  }
0x52: {  	_ =	shalt  }
0x53: {  	_ =	shalt  }
0x54: {  	_ =	shalt  }
0x55: {  	_ =	shalt  }
0x56: {  	_ =	shalt  }
0x57: {  	_ =	shalt  }
0x58: {  	_ =	shalt  }
0x59: {  	_ =	shalt  }
0x5a: {  	_ =	shalt  }
0x5b: {  	_ =	shalt  }
0x5c: {  	_ =	shalt  }
0x5d: {  	_ =	shalt  }
0x5e: {  	_ =	shalt  }
0x5f: {  	_ =	shalt  }
0x60: {  	_ =	shalt  }
0x61: {  	_ =	shalt  }
0x62: {  	_ =	shalt  }
0x63: {  	_ =	shalt  }
0x64: {  	_ =	shalt  }
0x65: {  	_ =	shalt  }
0x66: {  	_ =	shalt  }
0x67: {  	_ =	shalt  }
0x68: {  	_ =	shalt  }
0x69: {  	_ =	shalt  }
0x6a: {  	_ =	shalt  }
0x6b: {  	_ =	shalt  }
0x6c: {  	_ =	shalt  }
0x6d: {  	_ =	shalt  }
0x6e: {  	_ =	shalt  }
0x6f: {  	_ =	shalt  }
0x70: {  	_ =	shalt  }
0x71: {  	_ =	shalt  }
0x72: {  	_ =	shalt  }
0x73: {  	_ =	shalt  }
0x74: {  	_ =	shalt  }
0x75: {  	_ =	shalt  }
0x76: {  	_ =	shalt  }
0x77: {  	_ =	shalt  }
0x78: {  	_ =	shalt  }
0x79: {  	_ =	shalt  }
0x7a: {  	_ =	shalt  }
0x7b: {  	_ =	shalt  }
0x7c: {  	_ =	shalt  }
0x7d: {  	_ =	shalt  }
0x7e: {  	_ =	shalt  }
0x7f: {  	_ =	shalt  }
0x80: {  	_ =	shalt  }
0x81: {  	_ =	shalt  }
0x82: {  	_ =	shalt  }
0x83: {  	_ =	shalt  }
0x84: {  	_ =	shalt  }
0x85: {  	_ =	shalt  }
0x86: {  	_ =	shalt  }
0x87: {  	_ =	shalt  }
.Lfunc_end0:
.L_simem_size_0:
called_computation.1_lowered:
.L_overlay_start_0:
0x88: {  	s2 =	sld [smem:$0x3FD9]  }
0x89: {  	s3 =	sld [smem:$0x3FFE];
	_ =	sdelay $0x1  }
0x8a: {  	s1 =	srdreg.scid  }
0x8b: {  	s0 =	sand.u32 $0x1, s1  }
0x8c: {  	s17 =	sshll.u32 s0, $0xA;
	s2 =	sadd.s32 s3, s2  }
0x8d: {  	s2 =	sadd.s32 s2, s17  }
0x8e: {  	[smem:$0x3FBE] =	sst s2  }
0x8f: {  	_ = 	snop  }
0x90: {  	s2 =	sld [smem:$0x3FD0];
	(tm) =	ssettm $0x1  }
0x91: {  	s18 =	sld [smem:$0x3FFB];
	_ =	sdelay $0x3  }
0x92: {  	_ =	strace s18  }
0x93: {  	s3 =	sld [smem:$0x3FFC];
	_ =	sdelay $0x3  }
0x94: {  	_ =	strace s3  }
0x95: {  	s3 =	sld [smem:$0x3FFD];
	_ =	sdelay $0x3  }
0x96: {  	_ =	strace s3  }
0x97: {  	_ =	strace $0x8FFFFFFF  }
0x98: {  	s19 =	sld [smem:$0x3FDB];
	_ =	sdelay $0x1  }
0x99: {  	s4 =	simm.s32 $_scs_section_size  }
0x9a: {  	s5 =	simm.s32 $_size__tile_overlayer_lowered;
	s6 =	simm.s32 $_tile_overlayer_lowered  }
0x9b: {  	s22 =	simm.s32 $0x1BFF;
	s21 =	sshll.u32 s6, $0x1;
	s3 =	sadd.s32 s4, s19  }
0x9c: {  	s7 =	simm.s32 $0x0;
	s20 =	sshll.u32 s5, $0x1;
	s5 =	sadd.s32 s21, s3  }
0x9d: {  	[timem:s7], [sflag:s22] =	dma.local [hbm:s5], s20  }
0x9e: {  	_ =	swait.ge [sflag:s22], s20  }
0x9f: {  	s4 =	ssub.s32 $0x0, s20;
	[sflag:s22] =	ssyncset.done $0x0  }
0xa0: {  	[sflag:s22] =	ssyncadd.s32 s4;
	_ =	sdelay $0x1  }
0xa1: {  	s23 =	simm.s32 $0x1B8B  }
0xa2: {  	_ =	swait.ge [sflag:s23], $0x1  }
0xa3: {  	[sflag:s23] =	ssyncset.done $0x0  }
0xa4: {  	s25 =	simm.s32 $0x1B8E;
	s24 =	sld [smem:$0x3FFE];
	[sflag:s23] =	ssyncadd.s32 $0xFFFFFFFF  }
0xa5: {  	s26 =	simm.s32 $execute0_lowered;
	[smem:$0x3FD2] =	sst s25  }
0xa6: {  	s5 =	sshll.u32 s26, $0x1;
	_ =	strace $0x80000049;
	[dreg:$0x1] =	wrdreg $0xFFFFFFFF  }
0xa7: {  	s28 =	simm.s32 $_size_execute0_lowered;
	s3 =	sadd.s32 s3, s5;
	[dreg:$0x0] =	wrdreg $0x0  }
0xa8: {  	s5 =	sshll.u32 s28, $0x1;
	[dreg:$0x2] =	wrdreg s3  }
0xa9: {  	[dreg:$0x3] =	wrdreg s5  }
0xaa: {  	[dreg:$0x4] =	wrdreg $0xC0  }
0xab: {  	_ =	task [dreg:s7], $0x5FFFF  }
0xac: {  	[dreg:$0x1] =	wrdreg $0xFFFFFFFF  }
0xad: {  	[dreg:$0x0] =	wrdreg $0x60  }
0xae: {  	[dreg:$0x2] =	wrdreg s24  }
0xaf: {  	[dreg:$0x3] =	wrdreg s2  }
0xb0: {  	[dreg:$0x4] =	wrdreg $0xA9000  }
0xb1: {  	[dreg:$0x5] =	wrdreg $0x9  }
0xb2: {  	_ =	task.clear_ibuf [dreg:s7], $0x6FFFF;
	_ =	strace $0x90000049  }
0xb3: {  	s29 =	simm.s32 $0x9;
	_ =	strace $0x8000004B  }
0xb4: {  	_ =	swait.ge [sflag:s29], $0x1  }
0xb5: {  	[sflag:s29] =	ssyncadd.s32 $0xFFFFFFFF  }
0xb6: {  	_ =	strace $0x9000004B  }
0xb7: {  	_ =	sfence  }
0xb8: {  	s30 =	sld [smem:$0x0];
	_ =	sdelay $0x2  }
0xb9: {  	s31 =	sshll.u32 s1, $0xD;
	s1 =	sshrl.u32 s1, $0x2  }
0xba: {  	s3 =	sand.u32 $0x4000, s31;
	s1 =	sadd.s32 s1, s30  }
0xbb: {  	s0 =	sor.u32 s3, s0;
	s1 =	sshll.u32 s1, $0x11  }
0xbc: {  	s0 =	sor.u32 s1, s0  }
0xbd: {  	s0 =	sadd.s32 $0x8F2B, s0  }
0xbe: {  	[sflag:s0] =	ssyncadd.remote.s32 $0x1  }
0xbf: {  	_ =	sfence.sel $0xFFFF  }
0xc0: {  	[dreg:$0x0] =	wrdreg $0xFFFFFFFF;
	(pc) =	sbr.abs _section_cstart, $3  }
0xc1: {  	[dreg:$0x1] =	wrdreg $0xFFFFFFFF  }
0xc2: {  	_ =	task.clear_ibuf [dreg:s7], $0x2FFFF;
	_ =	strace $0x9FFFFFFF  }
0xc3: {  	(tm) =	ssettm $0x7FFFFFFF  }
tec
execute0_lowered:
.L_overlay_start_1:
0x0: {  	(tag) =	ssettag $0x1  }
0x1: {  	s0 =	rddreg [dreg:$0x0]  }
0x2: {  	s7 =	rddreg [dreg:$0x1]  }
0x3: {  	s1 =	rddreg [dreg:$0x2];
	s2 =	srdreg.scid  }
0x4: {  	s13 =	stileid.u32;
	s14 =	simm.s32 $0x7;
	s16 =	simm.s32 $0x80  }
0x5: {  	s17 =	simm.s32 $0x2900;
	s19 =	simm.s32 $0x3;
	s21 =	simm.s32 $0x5  }
0x6: {  	s22 =	simm.s32 $0x0;
	s8 =	sand.u32 $0x1, s2;
	s2 =	simm.s32 $0x0  }
0x7: {  	s5 =	sadd.s32 $0x78C00, s0;
	s6 =	sadd.s32 $0x3600, s0;
	p0 =	sne.s32 s13, $0x0  }
0x8: {  	s3 =	sshll.u32 s8, $0x4;
	[smem:$0x7FF] =	sst s2;
	s9 =	smul.u32 $0x27200, s8  }
0x9: {  	s8 =	ssub.s32 $0x2, s8;
	s15 =	sshrl.u32 @!p0 s1, $0x3;
	s4 =	sor.u32 s13, s3  }
0xa: {  	_ =	strace $0x8000004A;
	s3 =	sadd.s32 $0x2A800, s0;
	s4 =	smul.u32 $0x2800, s4  }
0xb: {  	[dreg:$0x4] =	wrdreg s6;
	s31 =	sshrl.u32 s8, $0x1;
	s13 =	simm.s32 $0x100  }
0xc: {  	s0 =	sadd.s32 s9, s0;
	s11 =	ssub.s32 s8, s31;
	s10 =	sshrl.u32 s4, $0x3  }
0xd: {  	s11 =	smax.u32 s11, $0x1;
	s7 =	sadd.s32 s7, s10;
	s8 =	sadd.s32 s5, s10  }
0xe: {  	s10 =	sadd.s32 $0x82C00, s0;
	s9 =	sadd.s32 $0x10, s8;
	s12 =	sadd.s32 $0x20, s8  }
.LBB2_1:
0xf: {  	[tilespmem:s13], [sflag:$0x7] =	stream.linear.gather [hbm4b:s7+s2], $0x2780, $0x38;
	[tilespmem:$0x1E200] =	vst v63  }
0x10: {  	_ =	swait.ge [sflag:s14], $0x2780  }
0x11: {  	[sflag:s14] =	ssyncset.done $0x0  }
0x12: {  	[sflag:s14] =	ssyncadd.s32 $0xFFFFD880  }
0x13: {  	[tilespmem:s2], [sflag:$0x7] =	stream.linear.gather [hbm4b:s8+s2], $0x80, $0x38;
	[tilespmem:$0x1E200] =	vst v63  }
0x14: {  	_ =	swait.ge [sflag:s14], $0x80  }
0x15: {  	[sflag:s14] =	ssyncset.done $0x0  }
0x16: {  	s0 =	simm.s32 @!p0 $0x1C07;
	s6 =	rddreg [dreg:$0x4];
	[sflag:s14] =	ssyncadd.s32 $0xFFFFFF80  }
0x17: {  	[spmem:s15], [sflag:s0] =	dma.local @!p0 [hbm:s6], $0x27200  }
0x18: {  	s0 =	simm.s32 @!p0 $0x7  }
0x19: {  	_ =	swait.ge @!p0 [sflag:s0], $0x27200  }
0x1a: {  	[sflag:s0] =	ssyncset.done @!p0 $0x0  }
0x1b: {  	[sflag:s0] =	ssyncadd.s32 @!p0 $0xFFFD8E00  }
0x1c: {  	[bflag:$0x0] =	sbarrier.arrive $0xFFFF  }
0x1d: {  	[tilespmem:s16], [sflag:$0x2] =	stream.linear.gather [hbm4b:s9+s2], $0x80, $0x38;
	[tilespmem:$0x1E200] =	vst v63  }
0x1e: {  	s26 =	simm.s32 $0x2  }
0x1f: {  	[tilespmem:s17], [sflag:$0x3] =	stream.indirect.gather [hbm4b:s3+s16], $0x80, s2, s16, $0xb8;
	[tilespmem:$0x1E200] =	vst v63  }
0x20: {  	_ =	swait.ge [sflag:s26], $0x80  }
0x21: {  	[sflag:s26] =	ssyncset.done $0x0  }
0x22: {  	s18 =	simm.s32 $0x6900;
	[sflag:s26] =	ssyncadd.s32 $0xFFFFFF80  }
0x23: {  	[tilespmem:s18], [sflag:$0x4] =	stream.indirect.gather [hbm4b:s3+s16], $0x80, s16, s16, $0xb8;
	[tilespmem:$0x1E200] =	vst v63  }
0x24: {  	_ =	swait.ge [sflag:s19], $0x4000  }
0x25: {  	[sflag:s19] =	ssyncset.done $0x0  }
0x26: {  	s24 =	simm.s32 $0x180;
	s0 =	sand.u32 $0x1, s26;
	[sflag:s19] =	ssyncadd.s32 $0xFFFFC000  }
0x27: {  	[tilespmem:s2], [sflag:$0x1] =	stream.linear.gather [hbm4b:s12+s2], $0x80, $0x38;
	[tilespmem:$0x1E200] =	vst v63  }
0x28: {  	s23 =	simm.s32 $0x200;
	s25 =	simm.s32 $0x3;
	s18 =	sadd.s32 $0x5, s0  }
0x29: {  	[spmem:s1] =	stream.indirect.scatter.add.f32 [tilespmem:s17], [sflag:$0x5], $0x80, s13, s16, $0xb8;
	[tilespmem:$0x1E200] =	vst v63  }
0x2a: {  	s28 =	simm.s32 $0x1;
	p1 =	por $0x0, $0x0;
	_ =	swait.ge [sflag:s18], $0x4000  }
0x2b: {  	s30 =	sand.u32 $0x1, s28;
	s28 =	sand.u32 @!p1 $0x380, s24;
	[sflag:s18] =	ssyncset.done $0x0  }
0x2c: {  	s20 =	sadd.s32 $0x1, s0;
	s29 =	sshll.u32 s0, $0x7;
	[sflag:s18] =	ssyncadd.s32 $0xFFFFC000  }
0x2d: {  	s26 =	sshll.u32 s0, $0xE;
	s0 =	sadd.s32 $0x3, s0;
	_ =	swait.ge [sflag:s20], $0x80  }
0x2e: {  	s6 =	sor.u32 $0x2900, s26;
	s26 =	sand.u32 @!p1 $0x7C00, s24;
	[sflag:s20] =	ssyncset.done $0x0  }
0x2f: {  	s26 =	sadd.s32 @!p1 s4, s26;
	s18 =	sshll.u32 s30, $0xE;
	[sflag:s20] =	ssyncadd.s32 $0xFFFFFF80  }
0x30: {  	[tilespmem:s6], [sflag:s0] =	stream.indirect.gather [hbm4b:s3+s16], $0x80, s29, s16, $0xb8;
	[tilespmem:$0x1E200] =	vst v63  }
0x31: {  	s20 =	sadd.s32 $0x3, s30;
	s0 =	sor.u32 @!p1 s28, s26;
	s28 =	sshll.u32 @!p1 s30, $0x7  }
0x32: {  	s29 =	sadd.s32 @!p1 $0x1, s30;
	s30 =	sadd.s32 $0x5, s30;
	_ =	swait.ge [sflag:s20], $0x4000  }
0x33: {  	s26 =	simm.s32 $0x200;
	s0 =	sshrl.u32 @!p1 s0, $0x3;
	[sflag:s20] =	ssyncset.done $0x0  }
0x34: {  	s31 =	sadd.s32 @!p1 s5, s0;
	s0 =	simm.s32 @!p1 $0x0;
	[sflag:s20] =	ssyncadd.s32 $0xFFFFC000  }
.LBB2_2:
0x35: {  	[tilespmem:s28], [sflag:s29] =	stream.linear.gather @!p1 [hbm4b:s31+s0], $0x80, $0x38;
	[tilespmem:$0x1E200] =	vst v63  }
0x36: {  	s0 =	sor.u32 $0x2900, s18;
	s18 =	smov.u32 s23;
	s23 =	sadd.s32 $0x80, s23  }
0x37: {  	[spmem:s1] =	stream.indirect.scatter.add.f32 [tilespmem:s0], [sflag:s30], $0x80, s24, s16, $0xb8;
	[tilespmem:$0x1E200] =	vst v63  }
0x38: {  	s20 =	smov.u32 s25;
	p2 =	sne.s32 s23, $0x2800;
	s0 =	sand.u32 $0x1, s25  }
0x39: {  	s24 =	smov.u32 s26;
	s28 =	sadd.s32 $0x5, s0;
	s29 =	sshll.u32 s0, $0xE  }
0x3a: {  	_ =	swait.ge [sflag:s28], $0x4000  }
0x3b: {  	s20 =	sadd.s32 $0xFFFFFFFF, s20;
	s25 =	sadd.s32 $0x1, s25;
	[sflag:s28] =	ssyncset.done $0x0  }
0x3c: {  	s26 =	sadd.s32 $0x80, s26;
	[sflag:s28] =	ssyncadd.s32 $0xFFFFC000;
	s28 =	sadd.s32 $0x1, s0  }
0x3d: {  	p1 =	sgt.u32 s20, $0x4C;
	s30 =	sshll.u32 s0, $0x7;
	_ =	swait.ge [sflag:s28], $0x80  }
0x3e: {  	s20 =	sand.u32 $0x1, s20;
	s0 =	sadd.s32 $0x3, s0;
	[sflag:s28] =	ssyncset.done $0x0  }
0x3f: {  	s29 =	sor.u32 $0x2900, s29;
	[sflag:s28] =	ssyncadd.s32 $0xFFFFFF80;
	s28 =	sand.u32 @!p1 $0x7C00, s18  }
0x40: {  	s6 =	sadd.s32 $0x3, s20;
	s18 =	sand.u32 @!p1 $0x380, s18;
	s28 =	sadd.s32 @!p1 s4, s28  }
.Ltmp0:
0x41: {  	s18 =	sor.u32 @!p1 s18, s28;
	s28 =	sshll.u32 @!p1 s20, $0x7;
	(pc) =	sbr.rel @p2 .LBB2_2-.Ltmp0, $4  }
0x42: {  	[tilespmem:s29], [sflag:s0] =	stream.indirect.gather [hbm4b:s3+s16], $0x80, s30, s16, $0xb8;
	[tilespmem:$0x1E200] =	vst v63  }
0x43: {  	s29 =	sadd.s32 @!p1 $0x1, s20;
	s0 =	sshrl.u32 @!p1 s18, $0x3;
	_ =	swait.ge [sflag:s6], $0x4000  }
0x44: {  	s31 =	sadd.s32 @!p1 s5, s0;
	s0 =	simm.s32 @!p1 $0x0;
	[sflag:s6] =	ssyncset.done $0x0  }
0x45: {  	s18 =	sshll.u32 s20, $0xE;
	s30 =	sadd.s32 $0x5, s20;
	[sflag:s6] =	ssyncadd.s32 $0xFFFFC000  }
0x46: {  	[tilespmem:s28], [sflag:s29] =	stream.linear.gather @!p1 [hbm4b:s31+s0], $0x80, $0x38;
	[tilespmem:$0x1E200] =	vst v63  }
0x47: {  	s29 =	sor.u32 $0x2900, s18  }
0x48: {  	[spmem:s1] =	stream.indirect.scatter.add.f32 [tilespmem:s29], [sflag:s30], $0x80, s24, s16, $0xb8;
	[tilespmem:$0x1E200] =	vst v63  }
0x49: {  	_ =	swait.ge [sflag:s30], $0x4000  }
0x4a: {  	[sflag:s30] =	ssyncset.done $0x0  }
0x4b: {  	[sflag:s30] =	ssyncadd.s32 $0xFFFFC000  }
0x4c: {  	_ =	swait.ge [sflag:s19], $0x4000  }
0x4d: {  	[sflag:s19] =	ssyncset.done $0x0  }
0x4e: {  	s31 =	simm.s32 $0x2800;
	[sflag:s19] =	ssyncadd.s32 $0xFFFFC000  }
0x4f: {  	[spmem:s1] =	stream.indirect.scatter.add.f32 [tilespmem:s17], [sflag:$0x5], $0x80, s31, s16, $0xb8;
	[tilespmem:$0x1E200] =	vst v63  }
0x50: {  	_ =	swait.ge [sflag:s21], $0x4000  }
0x51: {  	[sflag:s21] =	ssyncset.done $0x0  }
0x52: {  	s22 =	sadd.s32 $0x1, s22;
	[sflag:s21] =	ssyncadd.s32 $0xFFFFC000  }
0x53: {  	s0 =	simm.s32 @!p0 $0x1C07;
	p1 =	sne.s32 s22, s11;
	[bflag:$0x0] =	sbarrier.arrive $0xFFFF  }
0x54: {  	[hbm:s10], [sflag:s0] =	dma.local @!p0 [spmem:s15], $0x27200  }
.Ltmp1:
0x55: {  	_ = 	snop;
	(pc) =	sbr.rel @p1 .LBB2_1-.Ltmp1, $4  }
0x56: {  	s0 =	simm.s32 @!p0 $0x7  }
0x57: {  	_ =	swait.ge @!p0 [sflag:s0], $0x27200  }
0x58: {  	[sflag:s0] =	ssyncset.done @!p0 $0x0  }
0x59: {  	[sflag:s0] =	ssyncadd.s32 @!p0 $0xFFFD8E00  }
0x5a: {  	_ =	sfence.sel $0x180000  }
0x5b: {  	[bflag:$0x0] =	sbarrier.arrive $0xFFFF  }
0x5c: {  	_ =	strace $0x9000004A  }
0x5d: {  	[bflag:$0x2] =	sbarrier.arrive $0xFFFF  }
0x5e: {  	s0 =	rddreg [dreg:$0x3]  }
0x5f: {  	s0 =	sadd.s32 @!p0 $0x100000, s0  }
0x60: {  	[sflag:s0] =	ssyncadd.tile.s32 @!p0 $0x1;
	_ =	shalt  }
.Lfunc_end2:
_tile_overlayer_lowered:
.L_overlay_start_2:
0x61: {  	(tag) =	ssettag $0x2  }
0x62: {  	s0 =	rddreg [dreg:$0x0];
	s2 =	stileid.u32  }
0x63: {  	s1 =	rddreg [dreg:$0x1];
	p0 =	sne.s32 s2, $0x0  }
0x64: {  	s3 =	rddreg [dreg:$0x2];
	[bflag:$0x3] =	sbarrier.arrive $0xFFFF;
	s2 =	simm.s32 @!p0 $0x1C07  }
0x65: {  	[timem:s3], [sflag:s2] =	dma.local @!p0 [hbm:s0], s1  }
0x66: {  	s0 =	simm.s32 @!p0 $0x7  }
0x67: {  	_ =	swait.ge @!p0 [sflag:s0], s1  }
0x68: {  	s1 =	ssub.s32 @!p0 $0x0, s1;
	[sflag:s0] =	ssyncset.done @!p0 $0x0  }
0x69: {  	[sflag:s0] =	ssyncadd.s32 @!p0 s1  }
0x6a: {  	[bflag:$0x3] =	sbarrier.arrive $0xFFFF  }
0x6b: {  	_ =	shalt  }

// kernel: kernel.14.cloned.1.call-start
scs
__scs_entry_jumppad:
0x0: {  	(pc) =	sbr.rel $0x88, $3  }
0x1: {  	(tag) =	ssettag $0x0;
	lr =	simm.s32 $0x1  }
0x2: {  	[smem:$0x3F97] =	sst lr;
	_ =	strace $0xD0000000  }
0x3: {  	_ = 	snop  }
0x4: {  	_ = 	snop  }
0x5: {  	_ = 	snop  }
0x6: {  	_ = 	snop  }
0x7: {  	_ = 	snop  }
__scs_overlays_trampoline_lowered:
0x8: {  	[smem:$0x3FA6] =	sst s0  }
0x9: {  	[smem:$0x3FA7] =	sst s1  }
0xa: {  	[smem:$0x3FA8] =	sst s2  }
0xb: {  	[smem:$0x3FA9] =	sst s3  }
0xc: {  	[smem:$0x3FAA] =	sst s4  }
0xd: {  	[smem:$0x3FAB] =	sst s5  }
0xe: {  	[smem:$0x3FAC] =	sst s6  }
0xf: {  	[smem:$0x3FAD] =	sst s7  }
0x10: {  	[smem:$0x3FAE] =	sst s8  }
0x11: {  	[smem:$0x3FAF] =	sst s9;
	s0 =	simm.s32 @!p0 $0x0  }
0x12: {  	s1 =	sld [smem:$0x3F95];
	s0 =	simm.s32 @p0 $0x1  }
0x13: {  	[smem:$0x3FB0] =	sst s0;
	s0 =	simm.s32 @!p1 $0x0  }
0x14: {  	s2 =	sld [smem:$0x3F94];
	s0 =	simm.s32 @p1 $0x1  }
0x15: {  	[smem:$0x3FB1] =	sst s0;
	s0 =	simm.s32 @!p2 $0x0  }
0x16: {  	s3 =	sld [smem:$0x3FDB];
	s0 =	simm.s32 @p2 $0x1  }
0x17: {  	s4 =	simm.s32 $0x1BF5;
	[smem:$0x3FB3] =	sst s0  }
0x18: {  	s0 =	sld [smem:$0x3F96];
	_ =	swait.ge [sflag:s4], $0x0  }
0x19: {  	s7 =	sld [smem:$0x3F97]  }
0x1a: {  	s8 =	sadd.s32 $0xFFFFE003, lr  }
0x1b: {  	s9 =	sadd.s32 $0xFFFFFEF7, lr;
	s5 =	simm.s32 $0xFFFFFFFF;
	p2 =	slt.u32 s8, $0xFFFFF086  }
0x1c: {  	p1 =	slt.u32 s9, $0xF7A;
	s5 =	simm.s32 @!p2 $0x0  }
0x1d: {  	s5 =	simm.s32 @p1 $0x1;
	p0 =	seq.s32 s7, s2  }
0x1e: {  	s7 =	smul.u32 @!p0 $0xF7A, s2;
	p2 =	seq.s32 @!p0 s5, $0x0  }
0x1f: {  	s9 =	smul.u32 $0xF7A, s1;
	s8 =	simm.s32 @!p0 $0x1BF5;
	p2 =	por !p2, p0  }
0x20: {  	[sflag:s8] =	ssyncset.s32 @!p0 $0xFFFFF086;
	s6 =	sadd.s32 @!p0 s3, s7;
	s7 =	simm.s32 @!p0 $0x108  }
0x21: {  	s3 =	sadd.s32 s3, s9;
	s6 =	sadd.s32 @!p0 $0x88, s6;
	s7 =	simm.s32 @p2 $0x1082  }
0x22: {  	[simem:s7], [sflag:s8] =	dma.local @!p0 [hbm:s6], $0xF7A  }
0x23: {  	s9 =	sor.u32 $0xD0000000, s2;
	s6 =	simm.s32 $0x108;
	_ =	swait.ge @!p0 [sflag:s8], $0x0  }
0x24: {  	s3 =	sadd.s32 $0x88, s3;
	s6 =	simm.s32 @!p1 $0x1082;
	[sflag:s4] =	ssyncset.s32 $0xFFFFF086  }
0x25: {  	[simem:s6], [sflag:s4] =	dma.local [hbm:s3], $0xF7A  }
0x26: {  	[smem:$0x3F97] =	sst s1;
	(tag) =	ssettag s2;
	_ =	strace s9  }
0x27: {  	s1 =	sld [smem:$0x3FA7]  }
0x28: {  	s2 =	sld [smem:$0x3FA8]  }
0x29: {  	s4 =	sld [smem:$0x3FAA]  }
0x2a: {  	p0 =	seq.s32 s5, $0x0;
	s5 =	sld [smem:$0x3FAB]  }
0x2b: {  	s6 =	sld [smem:$0x3FAC]  }
0x2c: {  	s7 =	sld [smem:$0x3FAD]  }
0x2d: {  	s3 =	simm.s32 $0x108;
	s8 =	sld [smem:$0x3FAE]  }
0x2e: {  	s3 =	simm.s32 @!p0 $0x1082;
	s9 =	sld [smem:$0x3FAF]  }
0x2f: {  	lr =	sadd.s32 s0, s3;
	s0 =	sld [smem:$0x3FA6]  }
0x30: {  	s3 =	sld [smem:$0x3FA9]  }
0x31: {  	[smem:$0x3FB2] =	sst s10  }
0x32: {  	s10 =	sld [smem:$0x3FB0];
	_ =	sdelay $0x3  }
0x33: {  	p0 =	seq.s32 s10, $0x1;
	s10 =	sld [smem:$0x3FB2];
	_ =	sdelay $0x3  }
0x34: {  	[smem:$0x3FB2] =	sst s10  }
0x35: {  	s10 =	sld [smem:$0x3FB1];
	_ =	sdelay $0x3  }
0x36: {  	p1 =	seq.s32 s10, $0x1;
	s10 =	sld [smem:$0x3FB2];
	_ =	sdelay $0x3  }
0x37: {  	[smem:$0x3FB2] =	sst s10  }
0x38: {  	s10 =	sld [smem:$0x3FB3]  }
0x39: {  	_ = 	snop;
	(pc) =	sbr.ind lr, $3  }
0x3a: {  	_ = 	snop  }
0x3b: {  	_ = 	snop  }
0x3c: {  	p2 =	seq.s32 s10, $0x1;
	s10 =	sld [smem:$0x3FB2]  }
0x3d: {  	_ =	shalt  }
0x3e: {  	_ =	shalt  }
0x3f: {  	_ =	shalt  }
0x40: {  	_ =	shalt  }
0x41: {  	_ =	shalt  }
0x42: {  	_ =	shalt  }
0x43: {  	_ =	shalt  }
0x44: {  	_ =	shalt  }
0x45: {  	_ =	shalt  }
0x46: {  	_ =	shalt  }
0x47: {  	_ =	shalt  }
0x48: {  	_ =	shalt  }
0x49: {  	_ =	shalt  }
0x4a: {  	_ =	shalt  }
0x4b: {  	_ =	shalt  }
0x4c: {  	_ =	shalt  }
0x4d: {  	_ =	shalt  }
0x4e: {  	_ =	shalt  }
0x4f: {  	_ =	shalt  }
0x50: {  	_ =	shalt  }
0x51: {  	_ =	shalt  }
0x52: {  	_ =	shalt  }
0x53: {  	_ =	shalt  }
0x54: {  	_ =	shalt  }
0x55: {  	_ =	shalt  }
0x56: {  	_ =	shalt  }
0x57: {  	_ =	shalt  }
0x58: {  	_ =	shalt  }
0x59: {  	_ =	shalt  }
0x5a: {  	_ =	shalt  }
0x5b: {  	_ =	shalt  }
0x5c: {  	_ =	shalt  }
0x5d: {  	_ =	shalt  }
0x5e: {  	_ =	shalt  }
0x5f: {  	_ =	shalt  }
0x60: {  	_ =	shalt  }
0x61: {  	_ =	shalt  }
0x62: {  	_ =	shalt  }
0x63: {  	_ =	shalt  }
0x64: {  	_ =	shalt  }
0x65: {  	_ =	shalt  }
0x66: {  	_ =	shalt  }
0x67: {  	_ =	shalt  }
0x68: {  	_ =	shalt  }
0x69: {  	_ =	shalt  }
0x6a: {  	_ =	shalt  }
0x6b: {  	_ =	shalt  }
0x6c: {  	_ =	shalt  }
0x6d: {  	_ =	shalt  }
0x6e: {  	_ =	shalt  }
0x6f: {  	_ =	shalt  }
0x70: {  	_ =	shalt  }
0x71: {  	_ =	shalt  }
0x72: {  	_ =	shalt  }
0x73: {  	_ =	shalt  }
0x74: {  	_ =	shalt  }
0x75: {  	_ =	shalt  }
0x76: {  	_ =	shalt  }
0x77: {  	_ =	shalt  }
0x78: {  	_ =	shalt  }
0x79: {  	_ =	shalt  }
0x7a: {  	_ =	shalt  }
0x7b: {  	_ =	shalt  }
0x7c: {  	_ =	shalt  }
0x7d: {  	_ =	shalt  }
0x7e: {  	_ =	shalt  }
0x7f: {  	_ =	shalt  }
0x80: {  	_ =	shalt  }
0x81: {  	_ =	shalt  }
0x82: {  	_ =	shalt  }
0x83: {  	_ =	shalt  }
0x84: {  	_ =	shalt  }
0x85: {  	_ =	shalt  }
0x86: {  	_ =	shalt  }
0x87: {  	_ =	shalt  }
.Lfunc_end0:
.L_simem_size_0:
called_computation.2_lowered:
.L_overlay_start_0:
0x88: {  	s2 =	sld [smem:$0x3FD9]  }
0x89: {  	s3 =	sld [smem:$0x3FFE];
	_ =	sdelay $0x1  }
0x8a: {  	s1 =	srdreg.scid  }
0x8b: {  	s0 =	sand.u32 $0x1, s1  }
0x8c: {  	s17 =	sshll.u32 s0, $0xA;
	s2 =	sadd.s32 s3, s2  }
0x8d: {  	s2 =	sadd.s32 s2, s17  }
0x8e: {  	[smem:$0x3FBE] =	sst s2  }
0x8f: {  	_ = 	snop  }
0x90: {  	s2 =	sld [smem:$0x3FD0];
	(tm) =	ssettm $0x1  }
0x91: {  	s18 =	sld [smem:$0x3FFB];
	_ =	sdelay $0x3  }
0x92: {  	_ =	strace s18  }
0x93: {  	s3 =	sld [smem:$0x3FFC];
	_ =	sdelay $0x3  }
0x94: {  	_ =	strace s3  }
0x95: {  	s3 =	sld [smem:$0x3FFD];
	_ =	sdelay $0x3  }
0x96: {  	_ =	strace s3  }
0x97: {  	_ =	strace $0x8FFFFFFF  }
0x98: {  	s19 =	sld [smem:$0x3FDB];
	_ =	sdelay $0x1  }
0x99: {  	s4 =	simm.s32 $_scs_section_size  }
0x9a: {  	s5 =	simm.s32 $_size__tile_overlayer_lowered;
	s6 =	simm.s32 $_tile_overlayer_lowered  }
0x9b: {  	s22 =	simm.s32 $0x1BFF;
	s21 =	sshll.u32 s6, $0x1;
	s3 =	sadd.s32 s4, s19  }
0x9c: {  	s7 =	simm.s32 $0x0;
	s20 =	sshll.u32 s5, $0x1;
	s5 =	sadd.s32 s21, s3  }
0x9d: {  	[timem:s7], [sflag:s22] =	dma.local [hbm:s5], s20  }
0x9e: {  	_ =	swait.ge [sflag:s22], s20  }
0x9f: {  	s4 =	ssub.s32 $0x0, s20;
	[sflag:s22] =	ssyncset.done $0x0  }
0xa0: {  	[sflag:s22] =	ssyncadd.s32 s4;
	_ =	sdelay $0x1  }
0xa1: {  	s23 =	simm.s32 $0x1B8B  }
0xa2: {  	_ =	swait.ge [sflag:s23], $0x1  }
0xa3: {  	[sflag:s23] =	ssyncset.done $0x0  }
0xa4: {  	s25 =	simm.s32 $0x1B8E;
	s24 =	sld [smem:$0x3FFE];
	[sflag:s23] =	ssyncadd.s32 $0xFFFFFFFF  }
0xa5: {  	s26 =	simm.s32 $execute0_lowered;
	[smem:$0x3FD2] =	sst s25  }
0xa6: {  	s5 =	sshll.u32 s26, $0x1;
	_ =	strace $0x8000004C;
	[dreg:$0x1] =	wrdreg $0xFFFFFFFF  }
0xa7: {  	s28 =	simm.s32 $_size_execute0_lowered;
	s3 =	sadd.s32 s3, s5;
	[dreg:$0x0] =	wrdreg $0x0  }
0xa8: {  	s5 =	sshll.u32 s28, $0x1;
	[dreg:$0x2] =	wrdreg s3  }
0xa9: {  	[dreg:$0x3] =	wrdreg s5  }
0xaa: {  	[dreg:$0x4] =	wrdreg $0xC0  }
0xab: {  	_ =	task [dreg:s7], $0x5FFFF  }
0xac: {  	[dreg:$0x1] =	wrdreg $0xFFFFFFFF  }
0xad: {  	[dreg:$0x0] =	wrdreg $0x60  }
0xae: {  	[dreg:$0x2] =	wrdreg s24  }
0xaf: {  	[dreg:$0x3] =	wrdreg s2  }
0xb0: {  	[dreg:$0x4] =	wrdreg $0x9  }
0xb1: {  	_ =	task.clear_ibuf [dreg:s7], $0x5FFFF;
	_ =	strace $0x9000004C  }
0xb2: {  	s29 =	simm.s32 $0x9;
	_ =	strace $0x8000004E  }
0xb3: {  	_ =	swait.ge [sflag:s29], $0x1  }
0xb4: {  	[sflag:s29] =	ssyncadd.s32 $0xFFFFFFFF  }
0xb5: {  	_ =	strace $0x9000004E  }
0xb6: {  	_ =	sfence  }
0xb7: {  	s30 =	sld [smem:$0x0];
	_ =	sdelay $0x2  }
0xb8: {  	s31 =	sshll.u32 s1, $0xD;
	s1 =	sshrl.u32 s1, $0x2  }
0xb9: {  	s3 =	sand.u32 $0x4000, s31;
	s1 =	sadd.s32 s1, s30  }
0xba: {  	s0 =	sor.u32 s3, s0;
	s1 =	sshll.u32 s1, $0x11  }
0xbb: {  	s0 =	sor.u32 s1, s0  }
0xbc: {  	s0 =	sadd.s32 $0x8F2B, s0  }
0xbd: {  	[sflag:s0] =	ssyncadd.remote.s32 $0x1  }
0xbe: {  	_ =	sfence.sel $0xFFFF  }
0xbf: {  	[dreg:$0x0] =	wrdreg $0xFFFFFFFF;
	(pc) =	sbr.abs _section_cstart, $3  }
0xc0: {  	[dreg:$0x1] =	wrdreg $0xFFFFFFFF  }
0xc1: {  	_ =	task.clear_ibuf [dreg:s7], $0x2FFFF;
	_ =	strace $0x9FFFFFFF  }
0xc2: {  	(tm) =	ssettm $0x7FFFFFFF  }
0xc3: {  	_ =	shalt  }
tec
execute0_lowered:
.L_overlay_start_1:
0x0: {  	(tag) =	ssettag $0x1  }
0x1: {  	s0 =	srdreg.scid;
	s4 =	rddreg [dreg:$0x0]  }
0x2: {  	s6 =	rddreg [dreg:$0x1];
	s1 =	stileid.u32  }
0x3: {  	s2 =	simm.s32 $0x0;
	s11 =	simm.s32 $0x80;
	s3 =	sand.u32 $0x1, s0  }
0x4: {  	s12 =	simm.s32 $0x7;
	s13 =	simm.s32 $0x9;
	s5 =	sshll.u32 s3, $0x4  }
0x5: {  	s14 =	simm.s32 $0x0;
	s0 =	rddreg [dreg:$0x2];
	s7 =	sor.u32 s1, s5  }
0x6: {  	[smem:$0x7FF] =	sst s2;
	s31 =	ssub.s32 $0x2, s3;
	s8 =	smul.u32 $0x500, s7  }
0x7: {  	_ =	strace $0x8000004D;
	s3 =	sadd.s32 $0x2E00, s4;
	s10 =	sshrl.u32 s31, $0x1  }
0x8: {  	s10 =	ssub.s32 s31, s10;
	s7 =	smul.u32 $0x13C000, s7;
	s9 =	sadd.s32 s8, s4  }
0x9: {  	s4 =	sadd.s32 $0x82C00, s4;
	s6 =	sadd.s32 s6, s8;
	s8 =	smax.u32 s10, $0x1  }
0xa: {  	s10 =	simm.s32 $0x2800;
	s5 =	sadd.s32 $0x78C00, s9;
	s9 =	simm.s32 $0xA  }
.LBB2_1:
0xb: {  	[tilespmem:s2], [sflag:$0xA] =	stream.linear.gather [hbm4b:s5+s2], $0x2780, $0x38;
	[tilespmem:$0x1D000] =	vst v63  }
0xc: {  	_ =	swait.ge [sflag:s9], $0x2780  }
0xd: {  	[sflag:s9] =	ssyncset.done $0x0  }
0xe: {  	[sflag:s9] =	ssyncadd.s32 $0xFFFFD880  }
0xf: {  	[tilespmem:s10], [sflag:$0xA] =	stream.linear.gather [hbm4b:s6+s2], $0x2780, $0x38;
	[tilespmem:$0x1D000] =	vst v63  }
0x10: {  	_ =	swait.ge [sflag:s9], $0x2780  }
0x11: {  	[sflag:s9] =	ssyncset.done $0x0  }
0x12: {  	s15 =	simm.s32 $0x5000;
	[sflag:s9] =	ssyncadd.s32 $0xFFFFD880  }
0x13: {  	[tilespmem:s15], [sflag:$0x1] =	stream.indirect.gather [hbm4b:s3+s11], $0x80, s2, s11, $0xb8;
	[tilespmem:$0x1D000] =	vst v63  }
0x14: {  	s16 =	simm.s32 $0x11000;
	s18 =	simm.s32 $0x0  }
0x15: {  	[tilespmem:s16], [sflag:$0x4] =	stream.indirect.gather [hbm4b:s3+s11], $0x80, s10, s11, $0xb8;
	[tilespmem:$0x1D000] =	vst v63  }
.LBB2_2:
0x16: {  	s19 =	smul.u32 $0xAB, s18;
	_ =	sdelay $0x1  }
0x17: {  	s17 =	sadd.s32 $0xAB, s19  }
0x18: {  	s17 =	sshrl.u32 s17, $0x9  }
0x19: {  	s17 =	sand.u32 $0x7F, s17  }
0x1a: {  	s20 =	smul.u32 $0x3, s17  }
0x1b: {  	s17 =	sadd.s32 $0x1, s18  }
0x1c: {  	s20 =	ssub.s32 s17, s20  }
0x1d: {  	p0 =	slt.u32 s18, $0x2;
	s20 =	sand.u32 $0xFF, s20  }
0x1e: {  	s26 =	smulhi.u32 $0xAAAAAAAB, s18;
	s21 =	sadd.s32 @!p0 $0x7, s20  }
0x1f: {  	p1 =	seq.s32 @!p0 s18, $0x4E;
	s19 =	sshrl.u32 s19, $0x9;
	_ =	swait.ge @!p0 [sflag:s21], $0x4000  }
0x20: {  	p1 =	por p0, !p1;
	s19 =	sand.u32 $0x7F, s19;
	[sflag:s21] =	ssyncset.done @!p0 $0x0  }
0x21: {  	s19 =	smul.u32 $0x3, s19;
	[sflag:s21] =	ssyncadd.s32 @!p0 $0xFFFFC000;
	s21 =	sshll.u32 @p1 s20, $0xE  }
0x22: {  	s23 =	sshll.u32 @p1 s17, $0x7;
	s24 =	sadd.s32 @p1 $0x1, s20;
	s22 =	sadd.s32 @p1 $0x5000, s21  }
0x23: {  	[tilespmem:s22], [sflag:s24] =	stream.indirect.gather @p1 [hbm4b:s3+s11], $0x80, s23, s11, $0xb8;
	[tilespmem:$0x1D000] =	vst v63  }
0x24: {  	s20 =	sadd.s32 @p1 $0x4, s20;
	s21 =	sadd.s32 @p1 $0x11000, s21;
	s22 =	sadd.s32 @p1 $0x2800, s23  }
0x25: {  	[tilespmem:s21], [sflag:s20] =	stream.indirect.gather @p1 [hbm4b:s3+s11], $0x80, s22, s11, $0xb8;
	[tilespmem:$0x1D000] =	vst v63  }
0x26: {  	s20 =	sshrl.u32 s26, $0x1  }
0x27: {  	s19 =	ssub.s32 s18, s19;
	s20 =	smul.u32 $0xFFFD0000, s20  }
0x28: {  	s19 =	sand.u32 $0xFF, s19  }
0x29: {  	s28 =	sadd.s32 $0x1, s19;
	s20 =	sshra.s32 s20, $0x2  }
0x2a: {  	_ =	swait.ge [sflag:s28], $0x4000;
	s30 =	sadd.s32 s20, s16  }
0x2b: {  	[sflag:s28] =	ssyncset.done $0x0;
	v0 =	vmov s30  }
0x2c: {  	s29 =	sadd.s32 $0x4, s19;
	[sflag:s28] =	ssyncadd.s32 $0xFFFFC000  }
0x2d: {  	s31 =	sshll.u32 s19, $0xE;
	_ =	swait.ge [sflag:s29], $0x4000  }
0x2e: {  	s23 =	simm.s32 $0x400;
	s21 =	simm.s32 $0x0;
	[sflag:s29] =	ssyncset.done $0x0  }
0x2f: {  	s22 =	sadd.s32 s20, s15;
	s20 =	sadd.s32 $0x5000, s31;
	[sflag:s29] =	ssyncadd.s32 $0xFFFFC000  }
.LBB2_3:
0x30: {  	p0 =	sne.s32 s23, $0xFC00;
	v1 =	vld.idx.msk [tilespmem:v0+s21+$0x0 ss:$0x1], $0xffff;
	_ =	sdelay $0x4  }
0x31: {  	s24 =	sadd.s32 s21, s22  }
0x32: {  	[tilespmem:s24+$0x0] =	vst.add.f32.msk $0xffff, v1  }
0x33: {  	v1 =	vld.idx.msk [tilespmem:v0+s21+$0x10 ss:$0x1], $0xffff;
	_ =	sdelay $0x5  }
0x34: {  	[tilespmem:s24+$0x10] =	vst.add.f32.msk $0xffff, v1  }
0x35: {  	v1 =	vld.idx.msk [tilespmem:v0+s21+$0x20 ss:$0x1], $0xffff;
	_ =	sdelay $0x5  }
0x36: {  	[tilespmem:s24+$0x20] =	vst.add.f32.msk $0xffff, v1  }
0x37: {  	v1 =	vld.idx.msk [tilespmem:v0+s21+$0x30 ss:$0x1], $0xffff;
	_ =	sdelay $0x5  }
0x38: {  	[tilespmem:s24+$0x30] =	vst.add.f32.msk $0xffff, v1  }
0x39: {  	v1 =	vld.idx.msk [tilespmem:v0+s21+$0x40 ss:$0x1], $0xffff;
	_ =	sdelay $0x5  }
0x3a: {  	[tilespmem:s24+$0x40] =	vst.add.f32.msk $0xffff, v1  }
0x3b: {  	v1 =	vld.idx.msk [tilespmem:v0+s21+$0x50 ss:$0x1], $0xffff;
	_ =	sdelay $0x5  }
0x3c: {  	[tilespmem:s24+$0x50] =	vst.add.f32.msk $0xffff, v1  }
0x3d: {  	v1 =	vld.idx.msk [tilespmem:v0+s21+$0x60 ss:$0x1], $0xffff;
	_ =	sdelay $0x5  }
0x3e: {  	[tilespmem:s24+$0x60] =	vst.add.f32.msk $0xffff, v1  }
0x3f: {  	v1 =	vld.idx.msk [tilespmem:v0+s21+$0x70 ss:$0x1], $0xffff;
	_ =	sdelay $0x5  }
0x40: {  	[tilespmem:s24+$0x70] =	vst.add.f32.msk $0xffff, v1  }
0x41: {  	v1 =	vld.idx.msk [tilespmem:v0+s21+$0x80 ss:$0x1], $0xffff;
	_ =	sdelay $0x5  }
0x42: {  	[tilespmem:s24+$0x80] =	vst.add.f32.msk $0xffff, v1  }
0x43: {  	v1 =	vld.idx.msk [tilespmem:v0+s21+$0x90 ss:$0x1], $0xffff;
	_ =	sdelay $0x5  }
0x44: {  	[tilespmem:s24+$0x90] =	vst.add.f32.msk $0xffff, v1  }
0x45: {  	v1 =	vld.idx.msk [tilespmem:v0+s21+$0xA0 ss:$0x1], $0xffff;
	_ =	sdelay $0x5  }
0x46: {  	[tilespmem:s24+$0xA0] =	vst.add.f32.msk $0xffff, v1  }
0x47: {  	v1 =	vld.idx.msk [tilespmem:v0+s21+$0xB0 ss:$0x1], $0xffff;
	_ =	sdelay $0x5  }
0x48: {  	[tilespmem:s24+$0xB0] =	vst.add.f32.msk $0xffff, v1  }
0x49: {  	v1 =	vld.idx.msk [tilespmem:v0+s21+$0xC0 ss:$0x1], $0xffff;
	_ =	sdelay $0x5  }
0x4a: {  	[tilespmem:s24+$0xC0] =	vst.add.f32.msk $0xffff, v1  }
0x4b: {  	v1 =	vld.idx.msk [tilespmem:v0+s21+$0xD0 ss:$0x1], $0xffff;
	_ =	sdelay $0x5  }
0x4c: {  	[tilespmem:s24+$0xD0] =	vst.add.f32.msk $0xffff, v1  }
0x4d: {  	v1 =	vld.idx.msk [tilespmem:v0+s21+$0xE0 ss:$0x1], $0xffff;
	_ =	sdelay $0x5  }
0x4e: {  	[tilespmem:s24+$0xE0] =	vst.add.f32.msk $0xffff, v1  }
0x4f: {  	v1 =	vld.idx.msk [tilespmem:v0+s21+$0xF0 ss:$0x1], $0xffff;
	_ =	sdelay $0x1  }
.Ltmp0:
0x50: {  	(pc) =	sbr.rel @p0 .LBB2_3-.Ltmp0, $2  }
0x51: {  	_ =	sdelay $0x2  }
0x52: {  	s21 =	sshra.s32 s23, $0x2;
	s23 =	sadd.s32 $0x400, s23;
	[tilespmem:s24+$0xF0] =	vst.add.f32.msk $0xffff, v1  }
0x53: {  	_ =	sdelay $0x3  }
0x54: {  	v1 =	vld.idx.msk [tilespmem:v0+s21+$0x0 ss:$0x1], $0xffff;
	_ =	sdelay $0x3  }
0x55: {  	s22 =	sadd.s32 s21, s22  }
0x56: {  	[tilespmem:s22+$0x0] =	vst.add.f32.msk $0xffff, v1  }
0x57: {  	v1 =	vld.idx.msk [tilespmem:v0+s21+$0x10 ss:$0x1], $0xffff;
	_ =	sdelay $0x4  }
0x58: {  	[tilespmem:s22+$0x10] =	vst.add.f32.msk $0xffff, v1  }
0x59: {  	v1 =	vld.idx.msk [tilespmem:v0+s21+$0x20 ss:$0x1], $0xffff;
	_ =	sdelay $0x4  }
0x5a: {  	[tilespmem:s22+$0x20] =	vst.add.f32.msk $0xffff, v1  }
0x5b: {  	v1 =	vld.idx.msk [tilespmem:v0+s21+$0x30 ss:$0x1], $0xffff;
	_ =	sdelay $0x4  }
0x5c: {  	[tilespmem:s22+$0x30] =	vst.add.f32.msk $0xffff, v1  }
0x5d: {  	v1 =	vld.idx.msk [tilespmem:v0+s21+$0x40 ss:$0x1], $0xffff;
	_ =	sdelay $0x4  }
0x5e: {  	[tilespmem:s22+$0x40] =	vst.add.f32.msk $0xffff, v1  }
0x5f: {  	v1 =	vld.idx.msk [tilespmem:v0+s21+$0x50 ss:$0x1], $0xffff;
	_ =	sdelay $0x4  }
0x60: {  	[tilespmem:s22+$0x50] =	vst.add.f32.msk $0xffff, v1  }
0x61: {  	v1 =	vld.idx.msk [tilespmem:v0+s21+$0x60 ss:$0x1], $0xffff;
	_ =	sdelay $0x4  }
0x62: {  	[tilespmem:s22+$0x60] =	vst.add.f32.msk $0xffff, v1  }
0x63: {  	v1 =	vld.idx.msk [tilespmem:v0+s21+$0x70 ss:$0x1], $0xffff;
	_ =	sdelay $0x4  }
0x64: {  	[tilespmem:s22+$0x70] =	vst.add.f32.msk $0xffff, v1  }
0x65: {  	v1 =	vld.idx.msk [tilespmem:v0+s21+$0x80 ss:$0x1], $0xffff;
	_ =	sdelay $0x4  }
0x66: {  	[tilespmem:s22+$0x80] =	vst.add.f32.msk $0xffff, v1  }
0x67: {  	v1 =	vld.idx.msk [tilespmem:v0+s21+$0x90 ss:$0x1], $0xffff;
	_ =	sdelay $0x4  }
0x68: {  	[tilespmem:s22+$0x90] =	vst.add.f32.msk $0xffff, v1  }
0x69: {  	v1 =	vld.idx.msk [tilespmem:v0+s21+$0xA0 ss:$0x1], $0xffff;
	_ =	sdelay $0x4  }
0x6a: {  	[tilespmem:s22+$0xA0] =	vst.add.f32.msk $0xffff, v1  }
0x6b: {  	v1 =	vld.idx.msk [tilespmem:v0+s21+$0xB0 ss:$0x1], $0xffff;
	_ =	sdelay $0x4  }
0x6c: {  	[tilespmem:s22+$0xB0] =	vst.add.f32.msk $0xffff, v1  }
0x6d: {  	v1 =	vld.idx.msk [tilespmem:v0+s21+$0xC0 ss:$0x1], $0xffff;
	_ =	sdelay $0x4  }
0x6e: {  	[tilespmem:s22+$0xC0] =	vst.add.f32.msk $0xffff, v1  }
0x6f: {  	v1 =	vld.idx.msk [tilespmem:v0+s21+$0xD0 ss:$0x1], $0xffff;
	_ =	sdelay $0x4  }
0x70: {  	[tilespmem:s22+$0xD0] =	vst.add.f32.msk $0xffff, v1  }
0x71: {  	v1 =	vld.idx.msk [tilespmem:v0+s21+$0xE0 ss:$0x1], $0xffff;
	_ =	sdelay $0x4  }
0x72: {  	[tilespmem:s22+$0xE0] =	vst.add.f32.msk $0xffff, v1  }
0x73: {  	v63 =	vld.idx.msk [tilespmem:v0+s21+$0xF0 ss:$0x1], $0xffff;
	_ =	sdelay $0x1  }
0x74: {  	s18 =	sshll.u32 s18, $0xE;
	p0 =	sne.s32 s17, $0x4F  }
.Ltmp1:
0x75: {  	s18 =	sadd.s32 s7, s18;
	(pc) =	sbr.rel @p0 .LBB2_2-.Ltmp1, $4  }
0x76: {  	s18 =	sshrl.u32 s18, $0x3  }
0x77: {  	s19 =	sadd.s32 $0x7, s19;
	s18 =	sadd.s32 s4, s18;
	[tilespmem:s22+$0xF0] =	vst.add.f32.msk $0xffff, v63  }
0x78: {  	[hbm4b:s18+s2] =	stream.linear.scatter [tilespmem:s20], [sflag:s19], $0x4000, $0x38;
	[tilespmem:$0x1D000] =	vst v63  }
0x79: {  	s16 =	sadd.s32 $0x4000, s16;
	s15 =	sadd.s32 $0x4000, s15;
	s18 =	smov.u32 s17  }
0x7a: {  	s14 =	sadd.s32 $0x1, s14  }
0x7b: {  	_ =	swait.ge [sflag:s12], $0x4000;
	p0 =	sne.s32 s14, s8  }
.Ltmp2:
0x7c: {  	[sflag:s12] =	ssyncset.done $0x0;
	(pc) =	sbr.rel @p0 .LBB2_1-.Ltmp2, $4  }
0x7d: {  	[sflag:s12] =	ssyncadd.s32 $0xFFFFC000  }
0x7e: {  	_ =	swait.ge [sflag:s13], $0x4000  }
0x7f: {  	[sflag:s13] =	ssyncset.done $0x0  }
0x80: {  	[sflag:s13] =	ssyncadd.s32 $0xFFFFC000  }
0x81: {  	_ =	sfence.sel $0x180000  }
0x82: {  	[bflag:$0x0] =	sbarrier.arrive $0xFFFF  }
0x83: {  	p0 =	sne.s32 s1, $0x0;
	_ =	strace $0x9000004D  }
0x84: {  	s0 =	sadd.s32 @!p0 $0x100000, s0;
	[bflag:$0x2] =	sbarrier.arrive $0xFFFF  }
0x85: {  	[sflag:s0] =	ssyncadd.tile.s32 @!p0 $0x1;
	_ =	shalt  }
.Lfunc_end2:
_tile_overlayer_lowered:
.L_overlay_start_2:
0x86: {  	(tag) =	ssettag $0x2  }
0x87: {  	s0 =	rddreg [dreg:$0x0];
	s2 =	stileid.u32  }
0x88: {  	s1 =	rddreg [dreg:$0x1];
	p0 =	sne.s32 s2, $0x0  }
0x89: {  	s3 =	rddreg [dreg:$0x2];
	[bflag:$0x3] =	sbarrier.arrive $0xFFFF;
	s2 =	simm.s32 @!p0 $0x1C0A  }
0x8a: {  	[timem:s3], [sflag:s2] =	dma.local @!p0 [hbm:s0], s1  }
0x8b: {  	s0 =	simm.s32 @!p0 $0xA  }
0x8c: {  	_ =	swait.ge @!p0 [sflag:s0], s1  }
0x8d: {  	s1 =	ssub.s32 @!p0 $0x0, s1;
	[sflag:s0] =	ssyncset.done @!p0 $0x0  }
0x8e: {  	[sflag:s0] =	ssyncadd.s32 @!p0 s1  }
0x8f: {  	[bflag:$0x3] =	sbarrier.arrive $0xFFFF  }
0x90: {  	_ =	shalt  }

// kernel: kernel.8.cloned.1.call-start
scs
__scs_entry_jumppad:
0x0: {  	(pc) =	sbr.rel $0x88, $3  }
0x1: {  	(tag) =	ssettag $0x0;
	lr =	simm.s32 $0x1  }
0x2: {  	[smem:$0x3F97] =	sst lr;
	_ =	strace $0xD0000000  }
0x3: {  	_ = 	snop  }
0x4: {  	_ = 	snop  }
0x5: {  	_ = 	snop  }
0x6: {  	_ = 	snop  }
0x7: {  	_ = 	snop  }
__scs_overlays_trampoline_lowered:
0x8: {  	[smem:$0x3FA6] =	sst s0  }
0x9: {  	[smem:$0x3FA7] =	sst s1  }
0xa: {  	[smem:$0x3FA8] =	sst s2  }
0xb: {  	[smem:$0x3FA9] =	sst s3  }
0xc: {  	[smem:$0x3FAA] =	sst s4  }
0xd: {  	[smem:$0x3FAB] =	sst s5  }
0xe: {  	[smem:$0x3FAC] =	sst s6  }
0xf: {  	[smem:$0x3FAD] =	sst s7  }
0x10: {  	[smem:$0x3FAE] =	sst s8  }
0x11: {  	[smem:$0x3FAF] =	sst s9;
	s0 =	simm.s32 @!p0 $0x0  }
0x12: {  	s1 =	sld [smem:$0x3F95];
	s0 =	simm.s32 @p0 $0x1  }
0x13: {  	[smem:$0x3FB0] =	sst s0;
	s0 =	simm.s32 @!p1 $0x0  }
0x14: {  	s2 =	sld [smem:$0x3F94];
	s0 =	simm.s32 @p1 $0x1  }
0x15: {  	[smem:$0x3FB1] =	sst s0;
	s0 =	simm.s32 @!p2 $0x0  }
0x16: {  	s3 =	sld [smem:$0x3FDB];
	s0 =	simm.s32 @p2 $0x1  }
0x17: {  	s4 =	simm.s32 $0x1BF5;
	[smem:$0x3FB3] =	sst s0  }
0x18: {  	s0 =	sld [smem:$0x3F96];
	_ =	swait.ge [sflag:s4], $0x0  }
0x19: {  	s7 =	sld [smem:$0x3F97]  }
0x1a: {  	s8 =	sadd.s32 $0xFFFFE003, lr  }
0x1b: {  	s9 =	sadd.s32 $0xFFFFFEF7, lr;
	s5 =	simm.s32 $0xFFFFFFFF;
	p2 =	slt.u32 s8, $0xFFFFF086  }
0x1c: {  	p1 =	slt.u32 s9, $0xF7A;
	s5 =	simm.s32 @!p2 $0x0  }
0x1d: {  	s5 =	simm.s32 @p1 $0x1;
	p0 =	seq.s32 s7, s2  }
0x1e: {  	s7 =	smul.u32 @!p0 $0xF7A, s2;
	p2 =	seq.s32 @!p0 s5, $0x0  }
0x1f: {  	s9 =	smul.u32 $0xF7A, s1;
	s8 =	simm.s32 @!p0 $0x1BF5;
	p2 =	por !p2, p0  }
0x20: {  	[sflag:s8] =	ssyncset.s32 @!p0 $0xFFFFF086;
	s6 =	sadd.s32 @!p0 s3, s7;
	s7 =	simm.s32 @!p0 $0x108  }
0x21: {  	s3 =	sadd.s32 s3, s9;
	s6 =	sadd.s32 @!p0 $0x88, s6;
	s7 =	simm.s32 @p2 $0x1082  }
0x22: {  	[simem:s7], [sflag:s8] =	dma.local @!p0 [hbm:s6], $0xF7A  }
0x23: {  	s9 =	sor.u32 $0xD0000000, s2;
	s6 =	simm.s32 $0x108;
	_ =	swait.ge @!p0 [sflag:s8], $0x0  }
0x24: {  	s3 =	sadd.s32 $0x88, s3;
	s6 =	simm.s32 @!p1 $0x1082;
	[sflag:s4] =	ssyncset.s32 $0xFFFFF086  }
0x25: {  	[simem:s6], [sflag:s4] =	dma.local [hbm:s3], $0xF7A  }
0x26: {  	[smem:$0x3F97] =	sst s1;
	(tag) =	ssettag s2;
	_ =	strace s9  }
0x27: {  	s1 =	sld [smem:$0x3FA7]  }
0x28: {  	s2 =	sld [smem:$0x3FA8]  }
0x29: {  	s4 =	sld [smem:$0x3FAA]  }
0x2a: {  	p0 =	seq.s32 s5, $0x0;
	s5 =	sld [smem:$0x3FAB]  }
0x2b: {  	s6 =	sld [smem:$0x3FAC]  }
0x2c: {  	s7 =	sld [smem:$0x3FAD]  }
0x2d: {  	s3 =	simm.s32 $0x108;
	s8 =	sld [smem:$0x3FAE]  }
0x2e: {  	s3 =	simm.s32 @!p0 $0x1082;
	s9 =	sld [smem:$0x3FAF]  }
0x2f: {  	lr =	sadd.s32 s0, s3;
	s0 =	sld [smem:$0x3FA6]  }
0x30: {  	s3 =	sld [smem:$0x3FA9]  }
0x31: {  	[smem:$0x3FB2] =	sst s10  }
0x32: {  	s10 =	sld [smem:$0x3FB0];
	_ =	sdelay $0x3  }
0x33: {  	p0 =	seq.s32 s10, $0x1;
	s10 =	sld [smem:$0x3FB2];
	_ =	sdelay $0x3  }
0x34: {  	[smem:$0x3FB2] =	sst s10  }
0x35: {  	s10 =	sld [smem:$0x3FB1];
	_ =	sdelay $0x3  }
0x36: {  	p1 =	seq.s32 s10, $0x1;
	s10 =	sld [smem:$0x3FB2];
	_ =	sdelay $0x3  }
0x37: {  	[smem:$0x3FB2] =	sst s10  }
0x38: {  	s10 =	sld [smem:$0x3FB3]  }
0x39: {  	_ = 	snop;
	(pc) =	sbr.ind lr, $3  }
0x3a: {  	_ = 	snop  }
0x3b: {  	_ = 	snop  }
0x3c: {  	p2 =	seq.s32 s10, $0x1;
	s10 =	sld [smem:$0x3FB2]  }
0x3d: {  	_ =	shalt  }
0x3e: {  	_ =	shalt  }
0x3f: {  	_ =	shalt  }
0x40: {  	_ =	shalt  }
0x41: {  	_ =	shalt  }
0x42: {  	_ =	shalt  }
0x43: {  	_ =	shalt  }
0x44: {  	_ =	shalt  }
0x45: {  	_ =	shalt  }
0x46: {  	_ =	shalt  }
0x47: {  	_ =	shalt  }
0x48: {  	_ =	shalt  }
0x49: {  	_ =	shalt  }
0x4a: {  	_ =	shalt  }
0x4b: {  	_ =	shalt  }
0x4c: {  	_ =	shalt  }
0x4d: {  	_ =	shalt  }
0x4e: {  	_ =	shalt  }
0x4f: {  	_ =	shalt  }
0x50: {  	_ =	shalt  }
0x51: {  	_ =	shalt  }
0x52: {  	_ =	shalt  }
0x53: {  	_ =	shalt  }
0x54: {  	_ =	shalt  }
0x55: {  	_ =	shalt  }
0x56: {  	_ =	shalt  }
0x57: {  	_ =	shalt  }
0x58: {  	_ =	shalt  }
0x59: {  	_ =	shalt  }
0x5a: {  	_ =	shalt  }
0x5b: {  	_ =	shalt  }
0x5c: {  	_ =	shalt  }
0x5d: {  	_ =	shalt  }
0x5e: {  	_ =	shalt  }
0x5f: {  	_ =	shalt  }
0x60: {  	_ =	shalt  }
0x61: {  	_ =	shalt  }
0x62: {  	_ =	shalt  }
0x63: {  	_ =	shalt  }
0x64: {  	_ =	shalt  }
0x65: {  	_ =	shalt  }
0x66: {  	_ =	shalt  }
0x67: {  	_ =	shalt  }
0x68: {  	_ =	shalt  }
0x69: {  	_ =	shalt  }
0x6a: {  	_ =	shalt  }
0x6b: {  	_ =	shalt  }
0x6c: {  	_ =	shalt  }
0x6d: {  	_ =	shalt  }
0x6e: {  	_ =	shalt  }
0x6f: {  	_ =	shalt  }
0x70: {  	_ =	shalt  }
0x71: {  	_ =	shalt  }
0x72: {  	_ =	shalt  }
0x73: {  	_ =	shalt  }
0x74: {  	_ =	shalt  }
0x75: {  	_ =	shalt  }
0x76: {  	_ =	shalt  }
0x77: {  	_ =	shalt  }
0x78: {  	_ =	shalt  }
0x79: {  	_ =	shalt  }
0x7a: {  	_ =	shalt  }
0x7b: {  	_ =	shalt  }
0x7c: {  	_ =	shalt  }
0x7d: {  	_ =	shalt  }
0x7e: {  	_ =	shalt  }
0x7f: {  	_ =	shalt  }
0x80: {  	_ =	shalt  }
0x81: {  	_ =	shalt  }
0x82: {  	_ =	shalt  }
0x83: {  	_ =	shalt  }
0x84: {  	_ =	shalt  }
0x85: {  	_ =	shalt  }
0x86: {  	_ =	shalt  }
0x87: {  	_ =	shalt  }
.Lfunc_end0:
.L_simem_size_0:
called_computation_lowered:
.L_overlay_start_0:
0x88: {  	s2 =	sld [smem:$0x3FD9]  }
0x89: {  	s3 =	sld [smem:$0x3FFE];
	_ =	sdelay $0x1  }
0x8a: {  	s1 =	srdreg.scid  }
0x8b: {  	s0 =	sand.u32 $0x1, s1  }
0x8c: {  	s17 =	sshll.u32 s0, $0xA;
	s2 =	sadd.s32 s3, s2  }
0x8d: {  	s2 =	sadd.s32 s2, s17  }
0x8e: {  	[smem:$0x3FBE] =	sst s2  }
0x8f: {  	_ = 	snop  }
0x90: {  	s2 =	sld [smem:$0x3FD0];
	(tm) =	ssettm $0x1  }
0x91: {  	s18 =	sld [smem:$0x3FFB];
	_ =	sdelay $0x3  }
0x92: {  	_ =	strace s18  }
0x93: {  	s3 =	sld [smem:$0x3FFC];
	_ =	sdelay $0x3  }
0x94: {  	_ =	strace s3  }
0x95: {  	s3 =	sld [smem:$0x3FFD];
	_ =	sdelay $0x3  }
0x96: {  	_ =	strace s3  }
0x97: {  	_ =	strace $0x8FFFFFFF  }
0x98: {  	s19 =	sld [smem:$0x3FDB];
	_ =	sdelay $0x1  }
0x99: {  	s4 =	simm.s32 $_scs_section_size  }
0x9a: {  	s5 =	simm.s32 $_size__tile_overlayer_lowered;
	s6 =	simm.s32 $_tile_overlayer_lowered  }
0x9b: {  	s22 =	simm.s32 $0x1BFF;
	s21 =	sshll.u32 s6, $0x1;
	s3 =	sadd.s32 s4, s19  }
0x9c: {  	s7 =	simm.s32 $0x0;
	s20 =	sshll.u32 s5, $0x1;
	s5 =	sadd.s32 s21, s3  }
0x9d: {  	[timem:s7], [sflag:s22] =	dma.local [hbm:s5], s20  }
0x9e: {  	_ =	swait.ge [sflag:s22], s20  }
0x9f: {  	s4 =	ssub.s32 $0x0, s20;
	[sflag:s22] =	ssyncset.done $0x0  }
0xa0: {  	[sflag:s22] =	ssyncadd.s32 s4;
	_ =	sdelay $0x1  }
0xa1: {  	s23 =	simm.s32 $0x1B8B  }
0xa2: {  	_ =	swait.ge [sflag:s23], $0x1  }
0xa3: {  	[sflag:s23] =	ssyncset.done $0x0  }
0xa4: {  	s25 =	simm.s32 $0x1B8E;
	s24 =	sld [smem:$0x3FFE];
	[sflag:s23] =	ssyncadd.s32 $0xFFFFFFFF  }
0xa5: {  	s26 =	simm.s32 $execute0_lowered;
	[smem:$0x3FD2] =	sst s25  }
0xa6: {  	s5 =	sshll.u32 s26, $0x1;
	_ =	strace $0x80000046;
	[dreg:$0x1] =	wrdreg $0xFFFFFFFF  }
0xa7: {  	s28 =	simm.s32 $_size_execute0_lowered;
	s3 =	sadd.s32 s3, s5;
	[dreg:$0x0] =	wrdreg $0x0  }
0xa8: {  	s5 =	sshll.u32 s28, $0x1;
	[dreg:$0x2] =	wrdreg s3  }
0xa9: {  	[dreg:$0x3] =	wrdreg s5  }
0xaa: {  	[dreg:$0x4] =	wrdreg $0xC0  }
0xab: {  	_ =	task [dreg:s7], $0x5FFFF  }
0xac: {  	[dreg:$0x1] =	wrdreg $0xFFFFFFFF  }
0xad: {  	[dreg:$0x0] =	wrdreg $0x60  }
0xae: {  	[dreg:$0x2] =	wrdreg s2  }
0xaf: {  	[dreg:$0x3] =	wrdreg s24  }
0xb0: {  	[dreg:$0x4] =	wrdreg $0x68000  }
0xb1: {  	[dreg:$0x5] =	wrdreg $0x9  }
0xb2: {  	_ =	task.clear_ibuf [dreg:s7], $0x6FFFF;
	_ =	strace $0x90000046  }
0xb3: {  	s29 =	simm.s32 $0x9;
	_ =	strace $0x80000048  }
0xb4: {  	_ =	swait.ge [sflag:s29], $0x1  }
0xb5: {  	[sflag:s29] =	ssyncadd.s32 $0xFFFFFFFF  }
0xb6: {  	_ =	strace $0x90000048  }
0xb7: {  	_ =	sfence  }
0xb8: {  	s30 =	sld [smem:$0x0];
	_ =	sdelay $0x2  }
0xb9: {  	s31 =	sshll.u32 s1, $0xD;
	s1 =	sshrl.u32 s1, $0x2  }
0xba: {  	s3 =	sand.u32 $0x4000, s31;
	s1 =	sadd.s32 s1, s30  }
0xbb: {  	s0 =	sor.u32 s3, s0;
	s1 =	sshll.u32 s1, $0x11  }
0xbc: {  	s0 =	sor.u32 s1, s0  }
0xbd: {  	s0 =	sadd.s32 $0x8F2B, s0  }
0xbe: {  	[sflag:s0] =	ssyncadd.remote.s32 $0x1  }
0xbf: {  	_ =	sfence.sel $0xFFFF  }
0xc0: {  	[dreg:$0x0] =	wrdreg $0xFFFFFFFF;
	(pc) =	sbr.abs _section_cstart, $3  }
0xc1: {  	[dreg:$0x1] =	wrdreg $0xFFFFFFFF  }
0xc2: {  	_ =	task.clear_ibuf [dreg:s7], $0x2FFFF;
	_ =	strace $0x9FFFFFFF  }
0xc3: {  	(tm) =	ssettm $0x7FFFFFFF  }
tec
execute0_lowered:
.L_overlay_start_1:
0x0: {  	(tag) =	ssettag $0x1  }
0x1: {  	s5 =	rddreg [dreg:$0x0]  }
0x2: {  	s6 =	rddreg [dreg:$0x1]  }
0x3: {  	s1 =	rddreg [dreg:$0x2];
	s3 =	srdreg.scid  }
0x4: {  	s0 =	rddreg [dreg:$0x3];
	s2 =	simm.s32 $0x0;
	s8 =	stileid.u32  }
0x5: {  	s11 =	simm.s32 $0x80;
	s12 =	simm.s32 $0x1;
	s13 =	simm.s32 $0x2  }
0x6: {  	s14 =	simm.s32 $0x0;
	s4 =	sand.u32 $0x1, s3;
	[smem:$0x7FF] =	sst s2  }
0x7: {  	p0 =	sne.s32 s8, $0x0;
	s3 =	sshll.u32 s4, $0x4;
	_ =	strace $0x80000047  }
0x8: {  	s7 =	smul.u32 $0x27200, s4;
	s10 =	ssub.s32 $0x2, s4;
	s4 =	sadd.s32 $0x3600, s6  }
0x9: {  	s9 =	sor.u32 s8, s3;
	s3 =	sadd.s32 $0x2E00, s6;
	s31 =	sshrl.u32 s10, $0x1  }
0xa: {  	s8 =	simm.s32 $0x3;
	s9 =	smul.u32 $0x500, s9;
	s6 =	sadd.s32 s7, s6  }
0xb: {  	s7 =	ssub.s32 s10, s31;
	s10 =	sshrl.u32 @!p0 s1, $0x3;
	s6 =	sadd.s32 $0x2A800, s6  }
0xc: {  	s7 =	smax.u32 s7, $0x1;
	s5 =	sadd.s32 s5, s9;
	s9 =	simm.s32 $0x2800  }
.LBB2_1:
0xd: {  	[tilespmem:s2], [sflag:$0x3] =	stream.linear.gather [hbm4b:s5+s2], $0x2780, $0x38;
	[tilespmem:$0x1A100] =	vst v63  }
0xe: {  	_ =	swait.ge [sflag:s8], $0x2780  }
0xf: {  	[sflag:s8] =	ssyncset.done $0x0  }
0x10: {  	[sflag:s8] =	ssyncadd.s32 $0xFFFFD880  }
0x11: {  	[tilespmem:s9], [sflag:$0x3] =	stream.linear.gather [hbm4b:s3+s2], $0x4000, $0x38;
	[tilespmem:$0x1A100] =	vst v63  }
0x12: {  	_ =	swait.ge [sflag:s8], $0x4000  }
0x13: {  	[sflag:s8] =	ssyncset.done $0x0  }
0x14: {  	s15 =	simm.s32 @!p0 $0x1C03;
	[sflag:s8] =	ssyncadd.s32 $0xFFFFC000  }
0x15: {  	[spmem:s10], [sflag:s15] =	dma.local @!p0 [hbm:s4], $0x27200  }
0x16: {  	s15 =	simm.s32 @!p0 $0x3  }
0x17: {  	_ =	swait.ge @!p0 [sflag:s15], $0x27200  }
0x18: {  	[sflag:s15] =	ssyncset.done @!p0 $0x0  }
0x19: {  	[sflag:s15] =	ssyncadd.s32 @!p0 $0xFFFD8E00  }
0x1a: {  	s31 =	sand.u32 $0x1, s13;
	[bflag:$0x0] =	sbarrier.arrive $0xFFFF  }
0x1b: {  	[spmem:s1] =	stream.indirect.scatter.add.f32 [tilespmem:s9], [sflag:$0x1], $0x80, s2, s11, $0xb8;
	[tilespmem:$0x1A100] =	vst v63  }
0x1c: {  	s16 =	sadd.s32 $0x1, s31  }
0x1d: {  	[spmem:s1] =	stream.indirect.scatter.add.f32 [tilespmem:s9], [sflag:$0x2], $0x80, s11, s11, $0xb8;
	[tilespmem:$0x1A100] =	vst v63  }
0x1e: {  	_ =	swait.ge [sflag:s16], $0x4000  }
0x1f: {  	s17 =	simm.s32 $0x3;
	[sflag:s16] =	ssyncset.done $0x0  }
0x20: {  	s17 =	sand.u32 $0x1, s17;
	s15 =	simm.s32 $0x100;
	[sflag:s16] =	ssyncadd.s32 $0xFFFFC000  }
0x21: {  	[spmem:s1] =	stream.indirect.scatter.add.f32 [tilespmem:s9], [sflag:s16], $0x80, s15, s11, $0xb8;
	[tilespmem:$0x1A100] =	vst v63  }
0x22: {  	s16 =	sadd.s32 $0x1, s17  }
0x23: {  	s17 =	simm.s32 $0x4;
	_ =	swait.ge [sflag:s16], $0x4000  }
.LBB2_2:
0x24: {  	s18 =	sand.u32 $0x1, s17  }
0x25: {  	[sflag:s16] =	ssyncset.done $0x0;
	s15 =	sadd.s32 $0x80, s15;
	p1 =	sne.s32 s17, $0x4E  }
.Ltmp0:
0x26: {  	s18 =	sadd.s32 $0x1, s18;
	[sflag:s16] =	ssyncadd.s32 $0xFFFFC000;
	(pc) =	sbr.rel @p1 .LBB2_2-.Ltmp0, $3  }
0x27: {  	[spmem:s1] =	stream.indirect.scatter.add.f32 [tilespmem:s9], [sflag:s16], $0x80, s15, s11, $0xb8;
	[tilespmem:$0x1A100] =	vst v63  }
0x28: {  	s16 =	smov.u32 s18;
	_ =	swait.ge [sflag:s18], $0x4000;
	_ =	sdelay $0x1  }
0x29: {  	s17 =	sadd.s32 $0x1, s17  }
0x2a: {  	[sflag:s16] =	ssyncset.done $0x0  }
0x2b: {  	s15 =	sadd.s32 $0x80, s15;
	[sflag:s16] =	ssyncadd.s32 $0xFFFFC000  }
0x2c: {  	[spmem:s1] =	stream.indirect.scatter.add.f32 [tilespmem:s9], [sflag:s16], $0x80, s15, s11, $0xb8;
	[tilespmem:$0x1A100] =	vst v63  }
0x2d: {  	_ =	swait.ge [sflag:s12], $0x4000  }
0x2e: {  	[sflag:s12] =	ssyncset.done $0x0  }
0x2f: {  	[sflag:s12] =	ssyncadd.s32 $0xFFFFC000  }
0x30: {  	_ =	swait.ge [sflag:s13], $0x4000  }
0x31: {  	[sflag:s13] =	ssyncset.done $0x0  }
0x32: {  	s14 =	sadd.s32 $0x1, s14;
	[sflag:s13] =	ssyncadd.s32 $0xFFFFC000  }
0x33: {  	p1 =	sne.s32 s14, s7;
	s15 =	simm.s32 @!p0 $0x1C03;
	[bflag:$0x0] =	sbarrier.arrive $0xFFFF  }
0x34: {  	[hbm:s6], [sflag:s15] =	dma.local @!p0 [spmem:s10], $0x27200  }
.Ltmp1:
0x35: {  	_ = 	snop;
	(pc) =	sbr.rel @p1 .LBB2_1-.Ltmp1, $4  }
0x36: {  	s15 =	simm.s32 @!p0 $0x3  }
0x37: {  	_ =	swait.ge @!p0 [sflag:s15], $0x27200  }
0x38: {  	[sflag:s15] =	ssyncset.done @!p0 $0x0  }
0x39: {  	[sflag:s15] =	ssyncadd.s32 @!p0 $0xFFFD8E00  }
0x3a: {  	_ =	sfence.sel $0x180000  }
0x3b: {  	[bflag:$0x0] =	sbarrier.arrive $0xFFFF  }
0x3c: {  	_ =	strace $0x90000047  }
0x3d: {  	s0 =	sadd.s32 @!p0 $0x100000, s0;
	[bflag:$0x2] =	sbarrier.arrive $0xFFFF  }
0x3e: {  	[sflag:s0] =	ssyncadd.tile.s32 @!p0 $0x1;
	_ =	shalt  }
.Lfunc_end2:
_tile_overlayer_lowered:
.L_overlay_start_2:
0x3f: {  	(tag) =	ssettag $0x2  }
0x40: {  	s0 =	rddreg [dreg:$0x0];
	s2 =	stileid.u32  }
0x41: {  	s1 =	rddreg [dreg:$0x1];
	p0 =	sne.s32 s2, $0x0  }
0x42: {  	s3 =	rddreg [dreg:$0x2];
	[bflag:$0x3] =	sbarrier.arrive $0xFFFF;
	s2 =	simm.s32 @!p0 $0x1C03  }
0x43: {  	[timem:s3], [sflag:s2] =	dma.local @!p0 [hbm:s0], s1  }
0x44: {  	s0 =	simm.s32 @!p0 $0x3  }
0x45: {  	_ =	swait.ge @!p0 [sflag:s0], s1  }
0x46: {  	s1 =	ssub.s32 @!p0 $0x0, s1;
	[sflag:s0] =	ssyncset.done @!p0 $0x0  }
0x47: {  	[sflag:s0] =	ssyncadd.s32 @!p0 s1  }
0x48: {  	[bflag:$0x3] =	sbarrier.arrive $0xFFFF  }
0x49: {  	_ =	shalt  }

</sc_bundles>
